<compile_context>
chip_gen: v7x
topology: tpu7x:2x2x1
jax: 0.10.2.dev20260603
libtpu: 0.0.44.dev20260713+nightly
codegen_flags: <defaults>
</compile_context>

<pallas_src>
import functools

import jax
import jax.numpy as jnp
from jax import lax
from jax.experimental import pallas as pl
from jax.experimental.pallas import tpu as pltpu
from jax.experimental.pallas import tpu_sc as plsc

KNN = 16
SLOPE = 0.1
QT = 512
QM = 256

_NC, _NS = 2, 16
_NW = _NC * _NS
_CHUNK = 128


def _dot(a, b):
    return lax.dot_general(a.astype(jnp.bfloat16), b.astype(jnp.bfloat16),
                           (((1,), (0,)), ((), ())),
                           preferred_element_type=jnp.float32)


def _leaky(x):
    return jnp.where(x >= 0, x, SLOPE * x)


def _stage0_body(featA, featB, qxp, kxp, Wt11T, bt11, Wt22T, bt22, WdT, bd,
                 WposT, bpos, qadd, ktab, qf, kf):
    fA = featA[0]
    fB = featB[0]
    xq = qxp[0]
    xk = kxp[0]
    qfeat = _dot(fA, Wt11T[...]) + bt11[...]
    kfeat = _dot(fB, Wt22T[...]) + bt22[...]
    qadd[0] = qfeat - _dot(xq, WposT[...]) + bpos[...]
    ktab[0] = kfeat + _dot(xk, WposT[...])
    f1 = _dot(qfeat, WdT[...]) + bd[...]
    f2 = _dot(kfeat, WdT[...]) + bd[...]
    n1 = jnp.sqrt(jnp.sum(f1 * f1, axis=1, keepdims=True))
    n2 = jnp.sqrt(jnp.sum(f2 * f2, axis=1, keepdims=True))
    qf[0] = f1 / (n1 + 1e-8)
    kf[0] = f2 / (n2 + 1e-8)


def _stage1_body(qf, kf, qxp, kxp, kxpT, idx_out, *, n_keys):
    cb = pl.program_id(0)
    a = qf[0]
    b = kf[0]
    xq = qxp[0]
    xk = kxp[0]
    xkT = kxpT[0]
    qsq = jnp.sum(xq * xq, axis=1, keepdims=True)
    ksq = jnp.sum(xkT * xkT, axis=0, keepdims=True)
    A = jnp.concatenate([-a, xq * -2.0], axis=1)
    Bm = jnp.concatenate([b, xk], axis=1)
    dist = lax.dot_general(A.astype(jnp.bfloat16), Bm.astype(jnp.bfloat16),
                           (((1,), (1,)), ((), ())),
                           preferred_element_type=jnp.float32)
    dist = dist + qsq + ksq + 1.0
    iotaf = lax.broadcasted_iota(jnp.int32, dist.shape, 1).astype(jnp.float32)
    bigf = jnp.float32(n_keys)
    inf = jnp.float32(jnp.inf)
    idxs = []
    d = dist
    for _ in range(KNN):
        m = jnp.min(d, axis=1, keepdims=True)
        cand = jnp.where(d == m, iotaf, bigf)
        iv = jnp.min(cand, axis=1, keepdims=True)
        idxs.append(iv)
        d = jnp.where(cand == iv, inf, d)
    idx_out[0] = (jnp.concatenate(idxs, axis=1).astype(jnp.int32)
                  + cb * n_keys)


def _stage3_body(g, qadd, Wm1T, bm1, Wm2T, bm2, out):
    gg = g[0]
    q = qadd[0]
    m0 = q.shape[1]
    h = gg.reshape(QM, KNN, m0) + q[:, None, :]
    h = _leaky(h).reshape(QM * KNN, m0)
    h = _leaky(_dot(h, Wm1T[...]) + bm1[...])
    h = _leaky(_dot(h, Wm2T[...]) + bm2[...])
    red = jnp.max(h.reshape(QM, KNN, out.shape[1]), axis=1)
    out[0] = jnp.transpose(red, (1, 0))


def _sc_gather(tbl, idx):
    total = idx.shape[0]
    d = tbl.shape[1]
    per_w = total // _NW
    steps = per_w // _CHUNK
    mesh = plsc.VectorSubcoreMesh(core_axis_name="c", subcore_axis_name="s")

    @functools.partial(
        pl.kernel,
        out_type=jax.ShapeDtypeStruct((total, d), jnp.float32),
        mesh=mesh,
        scratch_types=[
            pltpu.VMEM((2, _CHUNK), jnp.int32),
            pltpu.VMEM((2, _CHUNK, d), jnp.float32),
            pltpu.SemaphoreType.DMA,
            pltpu.SemaphoreType.DMA,
        ],
        compiler_params=pltpu.CompilerParams(use_tc_tiling_on_sc=False),
    )
    def gk(idx_hbm, tbl_hbm, out_hbm, idx_v, rows_v, sem0, sem1):
        wid = lax.axis_index("s") * _NC + lax.axis_index("c")
        base = wid * per_w
        sems = (sem0, sem1)

        def start(j, slot):
            off = base + j * _CHUNK
            pltpu.sync_copy(idx_hbm.at[pl.ds(off, _CHUNK)], idx_v.at[slot])
            return pltpu.async_copy(tbl_hbm.at[idx_v.at[slot]],
                                    rows_v.at[slot], sems[slot])

        def drain(j, slot, cp):
            off = base + j * _CHUNK
            cp.wait()
            pltpu.sync_copy(rows_v.at[slot], out_hbm.at[pl.ds(off, _CHUNK)])

        def step(jj, carry):
            j = jj * 2
            c0 = start(j, 0)
            c1 = start(j + 1, 1)
            drain(j, 0, c0)
            drain(j + 1, 1, c1)
            return carry

        lax.fori_loop(0, steps // 2, step, 0)

    return gk(idx, tbl)


def kernel(pc1, pc2, feat1, feat2, Wt11, bt11, Wt22, bt22, Wpos, bpos,
           Wd, bd, Wm1, bm1, Wm2, bm2):
    B = pc1.shape[0]
    N = pc1.shape[2]
    C = feat1.shape[1]
    M0 = Wt11.shape[0]
    DO = Wd.shape[0]
    OUT = Wm2.shape[0]
    CB = 2 * B
    f32 = jnp.float32

    f1t = jnp.transpose(feat1, (0, 2, 1))
    f2t = jnp.transpose(feat2, (0, 2, 1))
    featA = jnp.concatenate([f1t, f2t], axis=0)
    featB = jnp.concatenate([f2t, f1t], axis=0)
    x1t = jnp.transpose(pc1, (0, 2, 1))
    x2t = jnp.transpose(pc2, (0, 2, 1))
    qxyz = jnp.concatenate([x1t, x2t], axis=0)
    kxyz = jnp.concatenate([x2t, x1t], axis=0)
    qxp = jnp.pad(qxyz, ((0, 0), (0, 0), (0, 13)))
    kxp = jnp.pad(kxyz, ((0, 0), (0, 0), (0, 13)))

    WposT = jnp.pad(Wpos.T, ((0, 13), (0, 0)))
    wfull = lambda shp: pl.BlockSpec(shp, lambda *a: tuple(0 for _ in shp))

    S0T = 1024
    cbN = lambda d: pl.BlockSpec((1, S0T, d), lambda cb, t: (cb, t, 0))
    qadd, ktab, qf, kf = pl.pallas_call(
        _stage0_body,
        grid=(CB, N // S0T),
        in_specs=[cbN(C), cbN(C), cbN(16), cbN(16),
                  wfull((C, M0)), wfull((1, M0)), wfull((C, M0)), wfull((1, M0)),
                  wfull((M0, DO)), wfull((1, DO)), wfull((16, M0)), wfull((1, M0))],
        out_specs=[cbN(M0), cbN(M0), cbN(DO), cbN(DO)],
        out_shape=[jax.ShapeDtypeStruct((CB, N, M0), f32),
                   jax.ShapeDtypeStruct((CB, N, M0), f32),
                   jax.ShapeDtypeStruct((CB, N, DO), f32),
                   jax.ShapeDtypeStruct((CB, N, DO), f32)],
    )(featA, featB, qxp, kxp,
      Wt11.T, bt11[None, :], Wt22.T, bt22[None, :],
      Wd.T, bd[None, :], WposT, bpos[None, :])

    kxpT = jnp.transpose(kxp, (0, 2, 1))

    def half(qf_h, kf_h, qxp_h, kxp_h, kxpT_h, ktab_h, qadd_h):
        nb = qf_h.shape[0]
        qblk = lambda d: pl.BlockSpec((1, QT, d), lambda cb, t: (cb, t, 0))
        kblk = lambda d: pl.BlockSpec((1, N, d), lambda cb, t: (cb, 0, 0))
        idxg = pl.pallas_call(
            functools.partial(_stage1_body, n_keys=N),
            grid=(nb, N // QT),
            in_specs=[qblk(DO), kblk(DO), qblk(16), kblk(16),
                      pl.BlockSpec((1, 16, N), lambda cb, t: (cb, 0, 0))],
            out_specs=pl.BlockSpec((1, QT, KNN), lambda cb, t: (cb, t, 0)),
            out_shape=jax.ShapeDtypeStruct((nb, N, KNN), jnp.int32),
        )(qf_h, kf_h, qxp_h, kxp_h, kxpT_h)

        g = _sc_gather(ktab_h.reshape(nb * N, M0), idxg.reshape(nb * N * KNN))

        return pl.pallas_call(
            _stage3_body,
            grid=(nb, N // QM),
            in_specs=[pl.BlockSpec((1, QM * KNN, M0), lambda cb, t: (cb, t, 0)),
                      pl.BlockSpec((1, QM, M0), lambda cb, t: (cb, t, 0)),
                      wfull((M0, M0)), wfull((1, M0)),
                      wfull((M0, OUT)), wfull((1, OUT))],
            out_specs=pl.BlockSpec((1, OUT, QM), lambda cb, t: (cb, 0, t)),
            out_shape=jax.ShapeDtypeStruct((nb, OUT, N), f32),
        )(g.reshape(nb, N * KNN, M0), qadd_h,
          Wm1.T, bm1[None, :], Wm2.T, bm2[None, :])

    feat1_new = half(qf[:B], kf[:B], qxp[:B], kxp[:B], kxpT[:B],
                     ktab[:B], qadd[:B])
    feat2_new = half(qf[B:], kf[B:], qxp[B:], kxp[B:], kxpT[B:],
                     ktab[B:], qadd[B:])
    return feat1_new, feat2_new

# --- scband reference (transcript-rebuilt; emitter-appended) ---
"""Pipeline reference for scband-bidirectional-layer-neural-47373489274951 (READ-ONLY COPY).

The authoritative reference and input builder live on the scoring server;
editing this copy changes nothing except your own understanding.
"""

import jax, jax.numpy as jnp
import numpy as np

NSAMPLE = 16
LEAKY = 0.1

def _conv1d(x, W, b):
    return jnp.einsum('oc,bcn->bon', W, x) + b[None, :, None]

def _conv2d(x, W, b):
    return jnp.einsum('oc,bckn->bokn', W, x) + b[None, :, None, None]

def _neural_dist(xyz1, xyz2, p1, p2, Wd, bd):
    # NeuralCosineDistance: learned projection + (1 - cosine sim) + squared euclidean xyz dist
    f1 = _conv1d(p1, Wd, bd)
    f2 = _conv1d(p2, Wd, bd)
    f1 = f1 / (jnp.linalg.norm(f1, axis=1, keepdims=True) + 1e-8)
    f2 = f2 / (jnp.linalg.norm(f2, axis=1, keepdims=True) + 1e-8)
    cos = jnp.einsum('bci,bcj->bij', f1, f2)
    x1 = jnp.transpose(xyz1, (0, 2, 1))
    x2 = jnp.transpose(xyz2, (0, 2, 1))
    sq = (jnp.sum(x1 * x1, -1)[:, :, None] + jnp.sum(x2 * x2, -1)[:, None, :]
          - 2.0 * jnp.einsum('bic,bjc->bij', x1, x2))
    return sq + (1.0 - cos)

def _gather(points, idx):
    # points: [B, N2, C], idx: [B, N1, K] -> [B, N1, K, C]
    B = points.shape[0]
    return points[jnp.arange(B)[:, None, None], idx]

def _cross(xyz1, xyz2, p1, p2, Wpos, bpos, Wd, bd, Wm1, bm1, Wm2, bm2):
    B = xyz1.shape[0]
    N1 = xyz1.shape[2]
    dist = _neural_dist(xyz1, xyz2, p1, p2, Wd, bd)
    _, knn_idx = jax.lax.top_k(-dist, NSAMPLE)
    x1t = jnp.transpose(xyz1, (0, 2, 1))
    x2t = jnp.transpose(xyz2, (0, 2, 1))
    p1t = jnp.transpose(p1, (0, 2, 1))
    p2t = jnp.transpose(p2, (0, 2, 1))
    neighbor_xyz = _gather(x2t, knn_idx)
    direction_xyz = neighbor_xyz - x1t[:, :, None, :]
    g2 = jnp.transpose(_gather(p2t, knn_idx), (0, 3, 2, 1))
    D = p1t.shape[-1]
    g1 = jnp.transpose(jnp.broadcast_to(p1t[:, :, None, :], (B, N1, NSAMPLE, D)), (0, 3, 2, 1))
    pos = _conv2d(jnp.transpose(direction_xyz, (0, 3, 2, 1)), Wpos, bpos)
    new_points = jax.nn.leaky_relu(g2 + g1 + pos, LEAKY)
    new_points = jax.nn.leaky_relu(_conv2d(new_points, Wm1, bm1), LEAKY)
    new_points = jax.nn.leaky_relu(_conv2d(new_points, Wm2, bm2), LEAKY)
    return jnp.max(new_points, axis=2)

def setup_inputs(seed: int = 0):
    key = jax.random.key(seed)
    ks = jax.random.split(key, 16)
    B, N, C = 2, 4096, 64
    M0, DO, OUT = 64, 32, 128
    return {
        'pc1': jax.random.normal(ks[0], (B, 3, N), jnp.float32),
        'pc2': jax.random.normal(ks[1], (B, 3, N), jnp.float32),
        'feat1': jax.random.normal(ks[2], (B, C, N), jnp.float32),
        'feat2': jax.random.normal(ks[3], (B, C, N), jnp.float32),
        'Wt11': jax.random.normal(ks[4], (M0, C), jnp.float32) * 0.05,
        'bt11': jax.random.normal(ks[5], (M0,), jnp.float32) * 0.05,
        'Wt22': jax.random.normal(ks[6], (M0, C), jnp.float32) * 0.05,
        'bt22': jax.random.normal(ks[7], (M0,), jnp.float32) * 0.05,
        'Wpos': jax.random.normal(ks[8], (M0, 3), jnp.float32) * 0.05,
        'bpos': jax.random.normal(ks[9], (M0,), jnp.float32) * 0.05,
        'Wd': jax.random.normal(ks[10], (DO, M0), jnp.float32) * 0.05,
        'bd': jax.random.normal(ks[11], (DO,), jnp.float32) * 0.05,
        'Wm1': jax.random.normal(ks[12], (M0, M0), jnp.float32) * 0.05,
        'bm1': jax.random.normal(ks[13], (M0,), jnp.float32) * 0.05,
        'Wm2': jax.random.normal(ks[14], (OUT, M0), jnp.float32) * 0.05,
        'bm2': jax.random.normal(ks[15], (OUT,), jnp.float32) * 0.05,
    }

def reference(pc1, pc2, feat1, feat2, Wt11, bt11, Wt22, bt22, Wpos, bpos, Wd, bd, Wm1, bm1, Wm2, bm2):
    p1 = _conv1d(feat1, Wt11, bt11)
    p2 = _conv1d(feat2, Wt22, bt22)
    q1 = _conv1d(feat2, Wt11, bt11)
    q2 = _conv1d(feat1, Wt22, bt22)
    feat1_new = _cross(pc1, pc2, p1, p2, Wpos, bpos, Wd, bd, Wm1, bm1, Wm2, bm2)
    feat2_new = _cross(pc2, pc1, q1, q2, Wpos, bpos, Wd, bd, Wm1, bm1, Wm2, bm2)
    return (feat1_new, feat2_new)

if __name__ == "__main__":
    import jax
    _d = setup_inputs()
    print(jax.jit(kernel)(*tuple(_d.values())))

</pallas_src>

<mosaic_0001>
#map = affine_map<(d0, d1) -> (0)>
#map1 = affine_map<(d0, d1) -> (0, 0)>
module attributes {stable_mosaic.version = 14 : i64} {
  func.func @gk(%arg0: i32, %arg1: i32, %arg2: memref<131072xi32, #tpu.memory_space<hbm>>, %arg3: memref<8192x64xf32, #tpu.memory_space<hbm>>, %arg4: memref<131072x64xf32, #tpu.memory_space<hbm>>, %arg5: memref<2x128xi32, #tpu.memory_space<vmem>>, %arg6: memref<2x128x64xf32, #tpu.memory_space<vmem>>, %arg7: memref<!tpu.dma_semaphore, #tpu.memory_space<semaphore_mem>>, %arg8: memref<!tpu.dma_semaphore, #tpu.memory_space<semaphore_mem>>) attributes {dimension_semantics = [#tpu.dimension_semantics<core_parallel>, #tpu.dimension_semantics<subcore_parallel>], iteration_bounds = array<i64: 2, 16>, scalar_prefetch = 0 : i64, scratch_operands = 4 : i64, tpu.core_type = #tpu.core_type<sc_vector_subcore>, window_params = [{transform_indices = #map}, {transform_indices = #map1}, {transform_indices = #map1}]} {
    %mul3A = arith.constant 2 : i32
    %mul3A_0 = arith.muli %arg1, %mul3A : i32
    %add3A = arith.addi %mul3A_0, %arg0 : i32
    %mul3A_1 = arith.constant 4096 : i32
    %mul3A_2 = arith.muli %add3A, %mul3A_1 : i32
    %scan3A = arith.constant 0 : i32
    %scan3A_3 = arith.constant 0 : i32
    %scan3A_4 = arith.constant 16 : i32
    %scan3A_5 = arith.addi %scan3A_3, %scan3A_4 : i32
    %scan3A_6 = arith.constant 1 : i32
    scf.for %scan3A_8 = %scan3A_3 to %scan3A_5 step %scan3A_6  : i32 {
      %mul3A_9 = arith.constant 2 : i32
      %mul3A_10 = arith.muli %scan3A_8, %mul3A_9 : i32
      %mul3A_11 = arith.constant 128 : i32
      %mul3A_12 = arith.muli %mul3A_10, %mul3A_11 : i32
      %add3A_13 = arith.addi %mul3A_2, %mul3A_12 : i32
      %run_scoped3A = arith.constant 0 : i32
      "tpu.region"() ({
        %run_scoped3A_76 = tpu.sem_alloc : memref<!tpu.dma_semaphore, #tpu.memory_space<semaphore_mem>>
        %dma_start3A_77 = arith.constant 0 : i32
        %dma_start3A_78 = tpu.memref_slice %arg5[%run_scoped3A, %dma_start3A_77] : memref<2x128xi32, #tpu.memory_space<vmem>> -> memref<1x128xi32, #tpu.memory_space<vmem>>
        %dma_start3A_79 = tpu.memref_squeeze %dma_start3A_78 : memref<1x128xi32, #tpu.memory_space<vmem>> -> memref<128xi32, #tpu.memory_space<vmem>>
        %dma_start3A_80 = tpu.memref_slice %arg2[%add3A_13] : memref<131072xi32, #tpu.memory_space<hbm>> -> memref<128xi32, #tpu.memory_space<hbm>>
        %dma_start3A_81 = arith.constant 0 : i32
        %dma_start3A_82 = tpu.memref_slice %arg5[%run_scoped3A, %dma_start3A_81] : memref<2x128xi32, #tpu.memory_space<vmem>> -> memref<1x128xi32, #tpu.memory_space<vmem>>
        %dma_start3A_83 = tpu.memref_squeeze %dma_start3A_82 : memref<1x128xi32, #tpu.memory_space<vmem>> -> memref<128xi32, #tpu.memory_space<vmem>>
        %dma_start3A_84 = tpu.memref_slice %arg2[%add3A_13] : memref<131072xi32, #tpu.memory_space<hbm>> -> memref<128xi32, #tpu.memory_space<hbm>>
        tpu.enqueue_dma source(%dma_start3A_84 : memref<128xi32, #tpu.memory_space<hbm>>) target(%dma_start3A_83 : memref<128xi32, #tpu.memory_space<vmem>>) target_semaphore(%run_scoped3A_76 : memref<!tpu.dma_semaphore, #tpu.memory_space<semaphore_mem>>)
        %dma_wait3A_85 = arith.constant 0 : i32
        %dma_wait3A_86 = tpu.memref_slice %arg5[%run_scoped3A, %dma_wait3A_85] : memref<2x128xi32, #tpu.memory_space<vmem>> -> memref<1x128xi32, #tpu.memory_space<vmem>>
        %dma_wait3A_87 = tpu.memref_squeeze %dma_wait3A_86 : memref<1x128xi32, #tpu.memory_space<vmem>> -> memref<128xi32, #tpu.memory_space<vmem>>
        %dma_wait3A_88 = tpu.memref_slice %arg2[%add3A_13] : memref<131072xi32, #tpu.memory_space<hbm>> -> memref<128xi32, #tpu.memory_space<hbm>>
        %dma_wait3A_89 = arith.constant 0 : i32
        %dma_wait3A_90 = tpu.memref_slice %arg5[%run_scoped3A, %dma_wait3A_89] : memref<2x128xi32, #tpu.memory_space<vmem>> -> memref<1x128xi32, #tpu.memory_space<vmem>>
        %dma_wait3A_91 = tpu.memref_squeeze %dma_wait3A_90 : memref<1x128xi32, #tpu.memory_space<vmem>> -> memref<128xi32, #tpu.memory_space<vmem>>
        %dma_wait3A_92 = tpu.memref_slice %arg2[%add3A_13] : memref<131072xi32, #tpu.memory_space<hbm>> -> memref<128xi32, #tpu.memory_space<hbm>>
        tpu.wait_dma2 semaphore(%run_scoped3A_76 : memref<!tpu.dma_semaphore, #tpu.memory_space<semaphore_mem>>) src(%dma_wait3A_92 : memref<128xi32, #tpu.memory_space<hbm>>) dst(%dma_wait3A_91 : memref<128xi32, #tpu.memory_space<vmem>>)
        tpu.yield
      }) : () -> ()
      %dma_start3A = arith.constant 0 : i32
      %dma_start3A_14 = arith.constant 0 : i32
      %dma_start3A_15 = arith.constant 0 : i32
      %dma_start3A_16 = arith.constant 0 : i32
      %dma_start3A_17 = tpu.memref_slice %arg6[%dma_start3A_14, %dma_start3A_15, %dma_start3A_16] : memref<2x128x64xf32, #tpu.memory_space<vmem>> -> memref<1x128x64xf32, #tpu.memory_space<vmem>>
      %dma_start3A_18 = tpu.memref_squeeze %dma_start3A_17 : memref<1x128x64xf32, #tpu.memory_space<vmem>> -> memref<128x64xf32, #tpu.memory_space<vmem>>
      %dma_start3A_19 = arith.constant 0 : i32
      %dma_start3A_20 = tpu.memref_slice %arg5[%dma_start3A, %dma_start3A_19] : memref<2x128xi32, #tpu.memory_space<vmem>> -> memref<1x128xi32, #tpu.memory_space<vmem>>
      %dma_start3A_21 = tpu.memref_squeeze %dma_start3A_20 : memref<1x128xi32, #tpu.memory_space<vmem>> -> memref<128xi32, #tpu.memory_space<vmem>>
      %dma_start3A_22 = arith.constant 0 : i32
      %dma_start3A_23 = arith.constant 0 : i32
      %dma_start3A_24 = tpu.memref_slice %arg3[%dma_start3A_22, %dma_start3A_23] : memref<8192x64xf32, #tpu.memory_space<hbm>> -> memref<8192x64xf32, #tpu.memory_space<hbm>>
      tpu.enqueue_indirect_dma source(%dma_start3A_24 : memref<8192x64xf32, #tpu.memory_space<hbm>>) target(%dma_start3A_18 : memref<128x64xf32, #tpu.memory_space<vmem>>) offsets(%dma_start3A_21 : memref<128xi32, #tpu.memory_space<vmem>>) semaphore(%arg7 : memref<!tpu.dma_semaphore, #tpu.memory_space<semaphore_mem>>)
      %add3A_25 = arith.constant 1 : i32
      %add3A_26 = arith.addi %mul3A_10, %add3A_25 : i32
      %mul3A_27 = arith.constant 128 : i32
      %mul3A_28 = arith.muli %add3A_26, %mul3A_27 : i32
      %add3A_29 = arith.addi %mul3A_2, %mul3A_28 : i32
      %run_scoped3A_30 = arith.constant 1 : i32
      "tpu.region"() ({
        %run_scoped3A_76 = tpu.sem_alloc : memref<!tpu.dma_semaphore, #tpu.memory_space<semaphore_mem>>
        %dma_start3A_77 = arith.constant 0 : i32
        %dma_start3A_78 = tpu.memref_slice %arg5[%run_scoped3A_30, %dma_start3A_77] : memref<2x128xi32, #tpu.memory_space<vmem>> -> memref<1x128xi32, #tpu.memory_space<vmem>>
        %dma_start3A_79 = tpu.memref_squeeze %dma_start3A_78 : memref<1x128xi32, #tpu.memory_space<vmem>> -> memref<128xi32, #tpu.memory_space<vmem>>
        %dma_start3A_80 = tpu.memref_slice %arg2[%add3A_29] : memref<131072xi32, #tpu.memory_space<hbm>> -> memref<128xi32, #tpu.memory_space<hbm>>
        %dma_start3A_81 = arith.constant 0 : i32
        %dma_start3A_82 = tpu.memref_slice %arg5[%run_scoped3A_30, %dma_start3A_81] : memref<2x128xi32, #tpu.memory_space<vmem>> -> memref<1x128xi32, #tpu.memory_space<vmem>>
        %dma_start3A_83 = tpu.memref_squeeze %dma_start3A_82 : memref<1x128xi32, #tpu.memory_space<vmem>> -> memref<128xi32, #tpu.memory_space<vmem>>
        %dma_start3A_84 = tpu.memref_slice %arg2[%add3A_29] : memref<131072xi32, #tpu.memory_space<hbm>> -> memref<128xi32, #tpu.memory_space<hbm>>
        tpu.enqueue_dma source(%dma_start3A_84 : memref<128xi32, #tpu.memory_space<hbm>>) target(%dma_start3A_83 : memref<128xi32, #tpu.memory_space<vmem>>) target_semaphore(%run_scoped3A_76 : memref<!tpu.dma_semaphore, #tpu.memory_space<semaphore_mem>>)
        %dma_wait3A_85 = arith.constant 0 : i32
        %dma_wait3A_86 = tpu.memref_slice %arg5[%run_scoped3A_30, %dma_wait3A_85] : memref<2x128xi32, #tpu.memory_space<vmem>> -> memref<1x128xi32, #tpu.memory_space<vmem>>
        %dma_wait3A_87 = tpu.memref_squeeze %dma_wait3A_86 : memref<1x128xi32, #tpu.memory_space<vmem>> -> memref<128xi32, #tpu.memory_space<vmem>>
        %dma_wait3A_88 = tpu.memref_slice %arg2[%add3A_29] : memref<131072xi32, #tpu.memory_space<hbm>> -> memref<128xi32, #tpu.memory_space<hbm>>
        %dma_wait3A_89 = arith.constant 0 : i32
        %dma_wait3A_90 = tpu.memref_slice %arg5[%run_scoped3A_30, %dma_wait3A_89] : memref<2x128xi32, #tpu.memory_space<vmem>> -> memref<1x128xi32, #tpu.memory_space<vmem>>
        %dma_wait3A_91 = tpu.memref_squeeze %dma_wait3A_90 : memref<1x128xi32, #tpu.memory_space<vmem>> -> memref<128xi32, #tpu.memory_space<vmem>>
        %dma_wait3A_92 = tpu.memref_slice %arg2[%add3A_29] : memref<131072xi32, #tpu.memory_space<hbm>> -> memref<128xi32, #tpu.memory_space<hbm>>
        tpu.wait_dma2 semaphore(%run_scoped3A_76 : memref<!tpu.dma_semaphore, #tpu.memory_space<semaphore_mem>>) src(%dma_wait3A_92 : memref<128xi32, #tpu.memory_space<hbm>>) dst(%dma_wait3A_91 : memref<128xi32, #tpu.memory_space<vmem>>)
        tpu.yield
      }) : () -> ()
      %dma_start3A_31 = arith.constant 1 : i32
      %dma_start3A_32 = arith.constant 1 : i32
      %dma_start3A_33 = arith.constant 0 : i32
      %dma_start3A_34 = arith.constant 0 : i32
      %dma_start3A_35 = tpu.memref_slice %arg6[%dma_start3A_32, %dma_start3A_33, %dma_start3A_34] : memref<2x128x64xf32, #tpu.memory_space<vmem>> -> memref<1x128x64xf32, #tpu.memory_space<vmem>>
      %dma_start3A_36 = tpu.memref_squeeze %dma_start3A_35 : memref<1x128x64xf32, #tpu.memory_space<vmem>> -> memref<128x64xf32, #tpu.memory_space<vmem>>
      %dma_start3A_37 = arith.constant 0 : i32
      %dma_start3A_38 = tpu.memref_slice %arg5[%dma_start3A_31, %dma_start3A_37] : memref<2x128xi32, #tpu.memory_space<vmem>> -> memref<1x128xi32, #tpu.memory_space<vmem>>
      %dma_start3A_39 = tpu.memref_squeeze %dma_start3A_38 : memref<1x128xi32, #tpu.memory_space<vmem>> -> memref<128xi32, #tpu.memory_space<vmem>>
      %dma_start3A_40 = arith.constant 0 : i32
      %dma_start3A_41 = arith.constant 0 : i32
      %dma_start3A_42 = tpu.memref_slice %arg3[%dma_start3A_40, %dma_start3A_41] : memref<8192x64xf32, #tpu.memory_space<hbm>> -> memref<8192x64xf32, #tpu.memory_space<hbm>>
      tpu.enqueue_indirect_dma source(%dma_start3A_42 : memref<8192x64xf32, #tpu.memory_space<hbm>>) target(%dma_start3A_36 : memref<128x64xf32, #tpu.memory_space<vmem>>) offsets(%dma_start3A_39 : memref<128xi32, #tpu.memory_space<vmem>>) semaphore(%arg8 : memref<!tpu.dma_semaphore, #tpu.memory_space<semaphore_mem>>)
      %mul3A_43 = arith.constant 128 : i32
      %mul3A_44 = arith.muli %mul3A_10, %mul3A_43 : i32
      %add3A_45 = arith.addi %mul3A_2, %mul3A_44 : i32
      %dma_wait3A = arith.constant 0 : i32
      %dma_wait3A_46 = arith.constant 0 : i32
      %dma_wait3A_47 = arith.constant 0 : i32
      %dma_wait3A_48 = arith.constant 0 : i32
      %dma_wait3A_49 = tpu.memref_slice %arg6[%dma_wait3A_46, %dma_wait3A_47, %dma_wait3A_48] : memref<2x128x64xf32, #tpu.memory_space<vmem>> -> memref<1x128x64xf32, #tpu.memory_space<vmem>>
      %dma_wait3A_50 = tpu.memref_squeeze %dma_wait3A_49 : memref<1x128x64xf32, #tpu.memory_space<vmem>> -> memref<128x64xf32, #tpu.memory_space<vmem>>
      %dma_wait3A_51 = arith.constant 0 : i32
      %dma_wait3A_52 = tpu.memref_slice %arg5[%dma_wait3A, %dma_wait3A_51] : memref<2x128xi32, #tpu.memory_space<vmem>> -> memref<1x128xi32, #tpu.memory_space<vmem>>
      %dma_wait3A_53 = tpu.memref_squeeze %dma_wait3A_52 : memref<1x128xi32, #tpu.memory_space<vmem>> -> memref<128xi32, #tpu.memory_space<vmem>>
      %dma_wait3A_54 = arith.constant 0 : i32
      %dma_wait3A_55 = arith.constant 0 : i32
      %dma_wait3A_56 = tpu.memref_slice %arg3[%dma_wait3A_54, %dma_wait3A_55] : memref<8192x64xf32, #tpu.memory_space<hbm>> -> memref<8192x64xf32, #tpu.memory_space<hbm>>
      tpu.wait_indirect_dma semaphore(%arg7 : memref<!tpu.dma_semaphore, #tpu.memory_space<semaphore_mem>>) src(%dma_wait3A_56 : memref<8192x64xf32, #tpu.memory_space<hbm>>) dst(%dma_wait3A_50 : memref<128x64xf32, #tpu.memory_space<vmem>>)
      %run_scoped3A_57 = arith.constant 0 : i32
      "tpu.region"() ({
        %run_scoped3A_76 = tpu.sem_alloc : memref<!tpu.dma_semaphore, #tpu.memory_space<semaphore_mem>>
        %dma_start3A_77 = arith.constant 0 : i32
        %dma_start3A_78 = arith.constant 0 : i32
        %dma_start3A_79 = tpu.memref_slice %arg6[%run_scoped3A_57, %dma_start3A_77, %dma_start3A_78] : memref<2x128x64xf32, #tpu.memory_space<vmem>> -> memref<1x128x64xf32, #tpu.memory_space<vmem>>
        %dma_start3A_80 = tpu.memref_squeeze %dma_start3A_79 : memref<1x128x64xf32, #tpu.memory_space<vmem>> -> memref<128x64xf32, #tpu.memory_space<vmem>>
        %dma_start3A_81 = arith.constant 0 : i32
        %dma_start3A_82 = tpu.memref_slice %arg4[%add3A_45, %dma_start3A_81] : memref<131072x64xf32, #tpu.memory_space<hbm>> -> memref<128x64xf32, #tpu.memory_space<hbm>>
        %dma_start3A_83 = arith.constant 0 : i32
        %dma_start3A_84 = tpu.memref_slice %arg4[%add3A_45, %dma_start3A_83] : memref<131072x64xf32, #tpu.memory_space<hbm>> -> memref<128x64xf32, #tpu.memory_space<hbm>>
        %dma_start3A_85 = arith.constant 0 : i32
        %dma_start3A_86 = arith.constant 0 : i32
        %dma_start3A_87 = tpu.memref_slice %arg6[%run_scoped3A_57, %dma_start3A_85, %dma_start3A_86] : memref<2x128x64xf32, #tpu.memory_space<vmem>> -> memref<1x128x64xf32, #tpu.memory_space<vmem>>
        %dma_start3A_88 = tpu.memref_squeeze %dma_start3A_87 : memref<1x128x64xf32, #tpu.memory_space<vmem>> -> memref<128x64xf32, #tpu.memory_space<vmem>>
        tpu.enqueue_dma source(%dma_start3A_88 : memref<128x64xf32, #tpu.memory_space<vmem>>) target(%dma_start3A_84 : memref<128x64xf32, #tpu.memory_space<hbm>>) target_semaphore(%run_scoped3A_76 : memref<!tpu.dma_semaphore, #tpu.memory_space<semaphore_mem>>)
        %dma_wait3A_89 = arith.constant 0 : i32
        %dma_wait3A_90 = arith.constant 0 : i32
        %dma_wait3A_91 = tpu.memref_slice %arg6[%run_scoped3A_57, %dma_wait3A_89, %dma_wait3A_90] : memref<2x128x64xf32, #tpu.memory_space<vmem>> -> memref<1x128x64xf32, #tpu.memory_space<vmem>>
        %dma_wait3A_92 = tpu.memref_squeeze %dma_wait3A_91 : memref<1x128x64xf32, #tpu.memory_space<vmem>> -> memref<128x64xf32, #tpu.memory_space<vmem>>
        %dma_wait3A_93 = arith.constant 0 : i32
        %dma_wait3A_94 = tpu.memref_slice %arg4[%add3A_45, %dma_wait3A_93] : memref<131072x64xf32, #tpu.memory_space<hbm>> -> memref<128x64xf32, #tpu.memory_space<hbm>>
        %dma_wait3A_95 = arith.constant 0 : i32
        %dma_wait3A_96 = tpu.memref_slice %arg4[%add3A_45, %dma_wait3A_95] : memref<131072x64xf32, #tpu.memory_space<hbm>> -> memref<128x64xf32, #tpu.memory_space<hbm>>
        %dma_wait3A_97 = arith.constant 0 : i32
        %dma_wait3A_98 = arith.constant 0 : i32
        %dma_wait3A_99 = tpu.memref_slice %arg6[%run_scoped3A_57, %dma_wait3A_97, %dma_wait3A_98] : memref<2x128x64xf32, #tpu.memory_space<vmem>> -> memref<1x128x64xf32, #tpu.memory_space<vmem>>
        %dma_wait3A_100 = tpu.memref_squeeze %dma_wait3A_99 : memref<1x128x64xf32, #tpu.memory_space<vmem>> -> memref<128x64xf32, #tpu.memory_space<vmem>>
        tpu.wait_dma2 semaphore(%run_scoped3A_76 : memref<!tpu.dma_semaphore, #tpu.memory_space<semaphore_mem>>) src(%dma_wait3A_100 : memref<128x64xf32, #tpu.memory_space<vmem>>) dst(%dma_wait3A_96 : memref<128x64xf32, #tpu.memory_space<hbm>>)
        tpu.yield
      }) : () -> ()
      %add3A_58 = arith.constant 1 : i32
      %add3A_59 = arith.addi %mul3A_10, %add3A_58 : i32
      %mul3A_60 = arith.constant 128 : i32
      %mul3A_61 = arith.muli %add3A_59, %mul3A_60 : i32
      %add3A_62 = arith.addi %mul3A_2, %mul3A_61 : i32
      %dma_wait3A_63 = arith.constant 1 : i32
      %dma_wait3A_64 = arith.constant 1 : i32
      %dma_wait3A_65 = arith.constant 0 : i32
      %dma_wait3A_66 = arith.constant 0 : i32
      %dma_wait3A_67 = tpu.memref_slice %arg6[%dma_wait3A_64, %dma_wait3A_65, %dma_wait3A_66] : memref<2x128x64xf32, #tpu.memory_space<vmem>> -> memref<1x128x64xf32, #tpu.memory_space<vmem>>
      %dma_wait3A_68 = tpu.memref_squeeze %dma_wait3A_67 : memref<1x128x64xf32, #tpu.memory_space<vmem>> -> memref<128x64xf32, #tpu.memory_space<vmem>>
      %dma_wait3A_69 = arith.constant 0 : i32
      %dma_wait3A_70 = tpu.memref_slice %arg5[%dma_wait3A_63, %dma_wait3A_69] : memref<2x128xi32, #tpu.memory_space<vmem>> -> memref<1x128xi32, #tpu.memory_space<vmem>>
      %dma_wait3A_71 = tpu.memref_squeeze %dma_wait3A_70 : memref<1x128xi32, #tpu.memory_space<vmem>> -> memref<128xi32, #tpu.memory_space<vmem>>
      %dma_wait3A_72 = arith.constant 0 : i32
      %dma_wait3A_73 = arith.constant 0 : i32
      %dma_wait3A_74 = tpu.memref_slice %arg3[%dma_wait3A_72, %dma_wait3A_73] : memref<8192x64xf32, #tpu.memory_space<hbm>> -> memref<8192x64xf32, #tpu.memory_space<hbm>>
      tpu.wait_indirect_dma semaphore(%arg8 : memref<!tpu.dma_semaphore, #tpu.memory_space<semaphore_mem>>) src(%dma_wait3A_74 : memref<8192x64xf32, #tpu.memory_space<hbm>>) dst(%dma_wait3A_68 : memref<128x64xf32, #tpu.memory_space<vmem>>)
      %run_scoped3A_75 = arith.constant 1 : i32
      "tpu.region"() ({
        %run_scoped3A_76 = tpu.sem_alloc : memref<!tpu.dma_semaphore, #tpu.memory_space<semaphore_mem>>
        %dma_start3A_77 = arith.constant 0 : i32
        %dma_start3A_78 = arith.constant 0 : i32
        %dma_start3A_79 = tpu.memref_slice %arg6[%run_scoped3A_75, %dma_start3A_77, %dma_start3A_78] : memref<2x128x64xf32, #tpu.memory_space<vmem>> -> memref<1x128x64xf32, #tpu.memory_space<vmem>>
        %dma_start3A_80 = tpu.memref_squeeze %dma_start3A_79 : memref<1x128x64xf32, #tpu.memory_space<vmem>> -> memref<128x64xf32, #tpu.memory_space<vmem>>
        %dma_start3A_81 = arith.constant 0 : i32
        %dma_start3A_82 = tpu.memref_slice %arg4[%add3A_62, %dma_start3A_81] : memref<131072x64xf32, #tpu.memory_space<hbm>> -> memref<128x64xf32, #tpu.memory_space<hbm>>
        %dma_start3A_83 = arith.constant 0 : i32
        %dma_start3A_84 = tpu.memref_slice %arg4[%add3A_62, %dma_start3A_83] : memref<131072x64xf32, #tpu.memory_space<hbm>> -> memref<128x64xf32, #tpu.memory_space<hbm>>
        %dma_start3A_85 = arith.constant 0 : i32
        %dma_start3A_86 = arith.constant 0 : i32
        %dma_start3A_87 = tpu.memref_slice %arg6[%run_scoped3A_75, %dma_start3A_85, %dma_start3A_86] : memref<2x128x64xf32, #tpu.memory_space<vmem>> -> memref<1x128x64xf32, #tpu.memory_space<vmem>>
        %dma_start3A_88 = tpu.memref_squeeze %dma_start3A_87 : memref<1x128x64xf32, #tpu.memory_space<vmem>> -> memref<128x64xf32, #tpu.memory_space<vmem>>
        tpu.enqueue_dma source(%dma_start3A_88 : memref<128x64xf32, #tpu.memory_space<vmem>>) target(%dma_start3A_84 : memref<128x64xf32, #tpu.memory_space<hbm>>) target_semaphore(%run_scoped3A_76 : memref<!tpu.dma_semaphore, #tpu.memory_space<semaphore_mem>>)
        %dma_wait3A_89 = arith.constant 0 : i32
        %dma_wait3A_90 = arith.constant 0 : i32
        %dma_wait3A_91 = tpu.memref_slice %arg6[%run_scoped3A_75, %dma_wait3A_89, %dma_wait3A_90] : memref<2x128x64xf32, #tpu.memory_space<vmem>> -> memref<1x128x64xf32, #tpu.memory_space<vmem>>
        %dma_wait3A_92 = tpu.memref_squeeze %dma_wait3A_91 : memref<1x128x64xf32, #tpu.memory_space<vmem>> -> memref<128x64xf32, #tpu.memory_space<vmem>>
        %dma_wait3A_93 = arith.constant 0 : i32
        %dma_wait3A_94 = tpu.memref_slice %arg4[%add3A_62, %dma_wait3A_93] : memref<131072x64xf32, #tpu.memory_space<hbm>> -> memref<128x64xf32, #tpu.memory_space<hbm>>
        %dma_wait3A_95 = arith.constant 0 : i32
        %dma_wait3A_96 = tpu.memref_slice %arg4[%add3A_62, %dma_wait3A_95] : memref<131072x64xf32, #tpu.memory_space<hbm>> -> memref<128x64xf32, #tpu.memory_space<hbm>>
        %dma_wait3A_97 = arith.constant 0 : i32
        %dma_wait3A_98 = arith.constant 0 : i32
        %dma_wait3A_99 = tpu.memref_slice %arg6[%run_scoped3A_75, %dma_wait3A_97, %dma_wait3A_98] : memref<2x128x64xf32, #tpu.memory_space<vmem>> -> memref<1x128x64xf32, #tpu.memory_space<vmem>>
        %dma_wait3A_100 = tpu.memref_squeeze %dma_wait3A_99 : memref<1x128x64xf32, #tpu.memory_space<vmem>> -> memref<128x64xf32, #tpu.memory_space<vmem>>
        tpu.wait_dma2 semaphore(%run_scoped3A_76 : memref<!tpu.dma_semaphore, #tpu.memory_space<semaphore_mem>>) src(%dma_wait3A_100 : memref<128x64xf32, #tpu.memory_space<vmem>>) dst(%dma_wait3A_96 : memref<128x64xf32, #tpu.memory_space<hbm>>)
        tpu.yield
      }) : () -> ()
    }
    %scan3A_7 = arith.constant 16 : i32
    return
  }
}

#map = affine_map<(d0, d1) -> (0)>
#map1 = affine_map<(d0, d1) -> (0, 0)>
module attributes {stable_mosaic.version = 14 : i64} {
  func.func @gk(%arg0: i32, %arg1: i32, %arg2: memref<131072xi32, #tpu.memory_space<hbm>>, %arg3: memref<8192x64xf32, #tpu.memory_space<hbm>>, %arg4: memref<131072x64xf32, #tpu.memory_space<hbm>>, %arg5: memref<2x128xi32, #tpu.memory_space<vmem>>, %arg6: memref<2x128x64xf32, #tpu.memory_space<vmem>>, %arg7: memref<!tpu.dma_semaphore, #tpu.memory_space<semaphore_mem>>, %arg8: memref<!tpu.dma_semaphore, #tpu.memory_space<semaphore_mem>>) attributes {dimension_semantics = [#tpu.dimension_semantics<core_parallel>, #tpu.dimension_semantics<subcore_parallel>], iteration_bounds = array<i64: 2, 16>, scalar_prefetch = 0 : i64, scratch_operands = 4 : i64, tpu.core_type = #tpu.core_type<sc_vector_subcore>, window_params = [{transform_indices = #map}, {transform_indices = #map1}, {transform_indices = #map1}]} {
    %mul3A = arith.constant 2 : i32
    %mul3A_0 = arith.muli %arg1, %mul3A : i32
    %add3A = arith.addi %mul3A_0, %arg0 : i32
    %mul3A_1 = arith.constant 4096 : i32
    %mul3A_2 = arith.muli %add3A, %mul3A_1 : i32
    %scan3A = arith.constant 0 : i32
    %scan3A_3 = arith.constant 0 : i32
    %scan3A_4 = arith.constant 16 : i32
    %scan3A_5 = arith.addi %scan3A_3, %scan3A_4 : i32
    %scan3A_6 = arith.constant 1 : i32
    scf.for %scan3A_8 = %scan3A_3 to %scan3A_5 step %scan3A_6  : i32 {
      %mul3A_9 = arith.constant 2 : i32
      %mul3A_10 = arith.muli %scan3A_8, %mul3A_9 : i32
      %mul3A_11 = arith.constant 128 : i32
      %mul3A_12 = arith.muli %mul3A_10, %mul3A_11 : i32
      %add3A_13 = arith.addi %mul3A_2, %mul3A_12 : i32
      %run_scoped3A = arith.constant 0 : i32
      "tpu.region"() ({
        %run_scoped3A_76 = tpu.sem_alloc : memref<!tpu.dma_semaphore, #tpu.memory_space<semaphore_mem>>
        %dma_start3A_77 = arith.constant 0 : i32
        %dma_start3A_78 = tpu.memref_slice %arg5[%run_scoped3A, %dma_start3A_77] : memref<2x128xi32, #tpu.memory_space<vmem>> -> memref<1x128xi32, #tpu.memory_space<vmem>>
        %dma_start3A_79 = tpu.memref_squeeze %dma_start3A_78 : memref<1x128xi32, #tpu.memory_space<vmem>> -> memref<128xi32, #tpu.memory_space<vmem>>
        %dma_start3A_80 = tpu.memref_slice %arg2[%add3A_13] : memref<131072xi32, #tpu.memory_space<hbm>> -> memref<128xi32, #tpu.memory_space<hbm>>
        %dma_start3A_81 = arith.constant 0 : i32
        %dma_start3A_82 = tpu.memref_slice %arg5[%run_scoped3A, %dma_start3A_81] : memref<2x128xi32, #tpu.memory_space<vmem>> -> memref<1x128xi32, #tpu.memory_space<vmem>>
        %dma_start3A_83 = tpu.memref_squeeze %dma_start3A_82 : memref<1x128xi32, #tpu.memory_space<vmem>> -> memref<128xi32, #tpu.memory_space<vmem>>
        %dma_start3A_84 = tpu.memref_slice %arg2[%add3A_13] : memref<131072xi32, #tpu.memory_space<hbm>> -> memref<128xi32, #tpu.memory_space<hbm>>
        tpu.enqueue_dma source(%dma_start3A_84 : memref<128xi32, #tpu.memory_space<hbm>>) target(%dma_start3A_83 : memref<128xi32, #tpu.memory_space<vmem>>) target_semaphore(%run_scoped3A_76 : memref<!tpu.dma_semaphore, #tpu.memory_space<semaphore_mem>>)
        %dma_wait3A_85 = arith.constant 0 : i32
        %dma_wait3A_86 = tpu.memref_slice %arg5[%run_scoped3A, %dma_wait3A_85] : memref<2x128xi32, #tpu.memory_space<vmem>> -> memref<1x128xi32, #tpu.memory_space<vmem>>
        %dma_wait3A_87 = tpu.memref_squeeze %dma_wait3A_86 : memref<1x128xi32, #tpu.memory_space<vmem>> -> memref<128xi32, #tpu.memory_space<vmem>>
        %dma_wait3A_88 = tpu.memref_slice %arg2[%add3A_13] : memref<131072xi32, #tpu.memory_space<hbm>> -> memref<128xi32, #tpu.memory_space<hbm>>
        %dma_wait3A_89 = arith.constant 0 : i32
        %dma_wait3A_90 = tpu.memref_slice %arg5[%run_scoped3A, %dma_wait3A_89] : memref<2x128xi32, #tpu.memory_space<vmem>> -> memref<1x128xi32, #tpu.memory_space<vmem>>
        %dma_wait3A_91 = tpu.memref_squeeze %dma_wait3A_90 : memref<1x128xi32, #tpu.memory_space<vmem>> -> memref<128xi32, #tpu.memory_space<vmem>>
        %dma_wait3A_92 = tpu.memref_slice %arg2[%add3A_13] : memref<131072xi32, #tpu.memory_space<hbm>> -> memref<128xi32, #tpu.memory_space<hbm>>
        tpu.wait_dma2 semaphore(%run_scoped3A_76 : memref<!tpu.dma_semaphore, #tpu.memory_space<semaphore_mem>>) src(%dma_wait3A_92 : memref<128xi32, #tpu.memory_space<hbm>>) dst(%dma_wait3A_91 : memref<128xi32, #tpu.memory_space<vmem>>)
        tpu.yield
      }) : () -> ()
      %dma_start3A = arith.constant 0 : i32
      %dma_start3A_14 = arith.constant 0 : i32
      %dma_start3A_15 = arith.constant 0 : i32
      %dma_start3A_16 = arith.constant 0 : i32
      %dma_start3A_17 = tpu.memref_slice %arg6[%dma_start3A_14, %dma_start3A_15, %dma_start3A_16] : memref<2x128x64xf32, #tpu.memory_space<vmem>> -> memref<1x128x64xf32, #tpu.memory_space<vmem>>
      %dma_start3A_18 = tpu.memref_squeeze %dma_start3A_17 : memref<1x128x64xf32, #tpu.memory_space<vmem>> -> memref<128x64xf32, #tpu.memory_space<vmem>>
      %dma_start3A_19 = arith.constant 0 : i32
      %dma_start3A_20 = tpu.memref_slice %arg5[%dma_start3A, %dma_start3A_19] : memref<2x128xi32, #tpu.memory_space<vmem>> -> memref<1x128xi32, #tpu.memory_space<vmem>>
      %dma_start3A_21 = tpu.memref_squeeze %dma_start3A_20 : memref<1x128xi32, #tpu.memory_space<vmem>> -> memref<128xi32, #tpu.memory_space<vmem>>
      %dma_start3A_22 = arith.constant 0 : i32
      %dma_start3A_23 = arith.constant 0 : i32
      %dma_start3A_24 = tpu.memref_slice %arg3[%dma_start3A_22, %dma_start3A_23] : memref<8192x64xf32, #tpu.memory_space<hbm>> -> memref<8192x64xf32, #tpu.memory_space<hbm>>
      tpu.enqueue_indirect_dma source(%dma_start3A_24 : memref<8192x64xf32, #tpu.memory_space<hbm>>) target(%dma_start3A_18 : memref<128x64xf32, #tpu.memory_space<vmem>>) offsets(%dma_start3A_21 : memref<128xi32, #tpu.memory_space<vmem>>) semaphore(%arg7 : memref<!tpu.dma_semaphore, #tpu.memory_space<semaphore_mem>>)
      %add3A_25 = arith.constant 1 : i32
      %add3A_26 = arith.addi %mul3A_10, %add3A_25 : i32
      %mul3A_27 = arith.constant 128 : i32
      %mul3A_28 = arith.muli %add3A_26, %mul3A_27 : i32
      %add3A_29 = arith.addi %mul3A_2, %mul3A_28 : i32
      %run_scoped3A_30 = arith.constant 1 : i32
      "tpu.region"() ({
        %run_scoped3A_76 = tpu.sem_alloc : memref<!tpu.dma_semaphore, #tpu.memory_space<semaphore_mem>>
        %dma_start3A_77 = arith.constant 0 : i32
        %dma_start3A_78 = tpu.memref_slice %arg5[%run_scoped3A_30, %dma_start3A_77] : memref<2x128xi32, #tpu.memory_space<vmem>> -> memref<1x128xi32, #tpu.memory_space<vmem>>
        %dma_start3A_79 = tpu.memref_squeeze %dma_start3A_78 : memref<1x128xi32, #tpu.memory_space<vmem>> -> memref<128xi32, #tpu.memory_space<vmem>>
        %dma_start3A_80 = tpu.memref_slice %arg2[%add3A_29] : memref<131072xi32, #tpu.memory_space<hbm>> -> memref<128xi32, #tpu.memory_space<hbm>>
        %dma_start3A_81 = arith.constant 0 : i32
        %dma_start3A_82 = tpu.memref_slice %arg5[%run_scoped3A_30, %dma_start3A_81] : memref<2x128xi32, #tpu.memory_space<vmem>> -> memref<1x128xi32, #tpu.memory_space<vmem>>
        %dma_start3A_83 = tpu.memref_squeeze %dma_start3A_82 : memref<1x128xi32, #tpu.memory_space<vmem>> -> memref<128xi32, #tpu.memory_space<vmem>>
        %dma_start3A_84 = tpu.memref_slice %arg2[%add3A_29] : memref<131072xi32, #tpu.memory_space<hbm>> -> memref<128xi32, #tpu.memory_space<hbm>>
        tpu.enqueue_dma source(%dma_start3A_84 : memref<128xi32, #tpu.memory_space<hbm>>) target(%dma_start3A_83 : memref<128xi32, #tpu.memory_space<vmem>>) target_semaphore(%run_scoped3A_76 : memref<!tpu.dma_semaphore, #tpu.memory_space<semaphore_mem>>)
        %dma_wait3A_85 = arith.constant 0 : i32
        %dma_wait3A_86 = tpu.memref_slice %arg5[%run_scoped3A_30, %dma_wait3A_85] : memref<2x128xi32, #tpu.memory_space<vmem>> -> memref<1x128xi32, #tpu.memory_space<vmem>>
        %dma_wait3A_87 = tpu.memref_squeeze %dma_wait3A_86 : memref<1x128xi32, #tpu.memory_space<vmem>> -> memref<128xi32, #tpu.memory_space<vmem>>
        %dma_wait3A_88 = tpu.memref_slice %arg2[%add3A_29] : memref<131072xi32, #tpu.memory_space<hbm>> -> memref<128xi32, #tpu.memory_space<hbm>>
        %dma_wait3A_89 = arith.constant 0 : i32
        %dma_wait3A_90 = tpu.memref_slice %arg5[%run_scoped3A_30, %dma_wait3A_89] : memref<2x128xi32, #tpu.memory_space<vmem>> -> memref<1x128xi32, #tpu.memory_space<vmem>>
        %dma_wait3A_91 = tpu.memref_squeeze %dma_wait3A_90 : memref<1x128xi32, #tpu.memory_space<vmem>> -> memref<128xi32, #tpu.memory_space<vmem>>
        %dma_wait3A_92 = tpu.memref_slice %arg2[%add3A_29] : memref<131072xi32, #tpu.memory_space<hbm>> -> memref<128xi32, #tpu.memory_space<hbm>>
        tpu.wait_dma2 semaphore(%run_scoped3A_76 : memref<!tpu.dma_semaphore, #tpu.memory_space<semaphore_mem>>) src(%dma_wait3A_92 : memref<128xi32, #tpu.memory_space<hbm>>) dst(%dma_wait3A_91 : memref<128xi32, #tpu.memory_space<vmem>>)
        tpu.yield
      }) : () -> ()
      %dma_start3A_31 = arith.constant 1 : i32
      %dma_start3A_32 = arith.constant 1 : i32
      %dma_start3A_33 = arith.constant 0 : i32
      %dma_start3A_34 = arith.constant 0 : i32
      %dma_start3A_35 = tpu.memref_slice %arg6[%dma_start3A_32, %dma_start3A_33, %dma_start3A_34] : memref<2x128x64xf32, #tpu.memory_space<vmem>> -> memref<1x128x64xf32, #tpu.memory_space<vmem>>
      %dma_start3A_36 = tpu.memref_squeeze %dma_start3A_35 : memref<1x128x64xf32, #tpu.memory_space<vmem>> -> memref<128x64xf32, #tpu.memory_space<vmem>>
      %dma_start3A_37 = arith.constant 0 : i32
      %dma_start3A_38 = tpu.memref_slice %arg5[%dma_start3A_31, %dma_start3A_37] : memref<2x128xi32, #tpu.memory_space<vmem>> -> memref<1x128xi32, #tpu.memory_space<vmem>>
      %dma_start3A_39 = tpu.memref_squeeze %dma_start3A_38 : memref<1x128xi32, #tpu.memory_space<vmem>> -> memref<128xi32, #tpu.memory_space<vmem>>
      %dma_start3A_40 = arith.constant 0 : i32
      %dma_start3A_41 = arith.constant 0 : i32
      %dma_start3A_42 = tpu.memref_slice %arg3[%dma_start3A_40, %dma_start3A_41] : memref<8192x64xf32, #tpu.memory_space<hbm>> -> memref<8192x64xf32, #tpu.memory_space<hbm>>
      tpu.enqueue_indirect_dma source(%dma_start3A_42 : memref<8192x64xf32, #tpu.memory_space<hbm>>) target(%dma_start3A_36 : memref<128x64xf32, #tpu.memory_space<vmem>>) offsets(%dma_start3A_39 : memref<128xi32, #tpu.memory_space<vmem>>) semaphore(%arg8 : memref<!tpu.dma_semaphore, #tpu.memory_space<semaphore_mem>>)
      %mul3A_43 = arith.constant 128 : i32
      %mul3A_44 = arith.muli %mul3A_10, %mul3A_43 : i32
      %add3A_45 = arith.addi %mul3A_2, %mul3A_44 : i32
      %dma_wait3A = arith.constant 0 : i32
      %dma_wait3A_46 = arith.constant 0 : i32
      %dma_wait3A_47 = arith.constant 0 : i32
      %dma_wait3A_48 = arith.constant 0 : i32
      %dma_wait3A_49 = tpu.memref_slice %arg6[%dma_wait3A_46, %dma_wait3A_47, %dma_wait3A_48] : memref<2x128x64xf32, #tpu.memory_space<vmem>> -> memref<1x128x64xf32, #tpu.memory_space<vmem>>
      %dma_wait3A_50 = tpu.memref_squeeze %dma_wait3A_49 : memref<1x128x64xf32, #tpu.memory_space<vmem>> -> memref<128x64xf32, #tpu.memory_space<vmem>>
      %dma_wait3A_51 = arith.constant 0 : i32
      %dma_wait3A_52 = tpu.memref_slice %arg5[%dma_wait3A, %dma_wait3A_51] : memref<2x128xi32, #tpu.memory_space<vmem>> -> memref<1x128xi32, #tpu.memory_space<vmem>>
      %dma_wait3A_53 = tpu.memref_squeeze %dma_wait3A_52 : memref<1x128xi32, #tpu.memory_space<vmem>> -> memref<128xi32, #tpu.memory_space<vmem>>
      %dma_wait3A_54 = arith.constant 0 : i32
      %dma_wait3A_55 = arith.constant 0 : i32
      %dma_wait3A_56 = tpu.memref_slice %arg3[%dma_wait3A_54, %dma_wait3A_55] : memref<8192x64xf32, #tpu.memory_space<hbm>> -> memref<8192x64xf32, #tpu.memory_space<hbm>>
      tpu.wait_indirect_dma semaphore(%arg7 : memref<!tpu.dma_semaphore, #tpu.memory_space<semaphore_mem>>) src(%dma_wait3A_56 : memref<8192x64xf32, #tpu.memory_space<hbm>>) dst(%dma_wait3A_50 : memref<128x64xf32, #tpu.memory_space<vmem>>)
      %run_scoped3A_57 = arith.constant 0 : i32
      "tpu.region"() ({
        %run_scoped3A_76 = tpu.sem_alloc : memref<!tpu.dma_semaphore, #tpu.memory_space<semaphore_mem>>
        %dma_start3A_77 = arith.constant 0 : i32
        %dma_start3A_78 = arith.constant 0 : i32
        %dma_start3A_79 = tpu.memref_slice %arg6[%run_scoped3A_57, %dma_start3A_77, %dma_start3A_78] : memref<2x128x64xf32, #tpu.memory_space<vmem>> -> memref<1x128x64xf32, #tpu.memory_space<vmem>>
        %dma_start3A_80 = tpu.memref_squeeze %dma_start3A_79 : memref<1x128x64xf32, #tpu.memory_space<vmem>> -> memref<128x64xf32, #tpu.memory_space<vmem>>
        %dma_start3A_81 = arith.constant 0 : i32
        %dma_start3A_82 = tpu.memref_slice %arg4[%add3A_45, %dma_start3A_81] : memref<131072x64xf32, #tpu.memory_space<hbm>> -> memref<128x64xf32, #tpu.memory_space<hbm>>
        %dma_start3A_83 = arith.constant 0 : i32
        %dma_start3A_84 = tpu.memref_slice %arg4[%add3A_45, %dma_start3A_83] : memref<131072x64xf32, #tpu.memory_space<hbm>> -> memref<128x64xf32, #tpu.memory_space<hbm>>
        %dma_start3A_85 = arith.constant 0 : i32
        %dma_start3A_86 = arith.constant 0 : i32
        %dma_start3A_87 = tpu.memref_slice %arg6[%run_scoped3A_57, %dma_start3A_85, %dma_start3A_86] : memref<2x128x64xf32, #tpu.memory_space<vmem>> -> memref<1x128x64xf32, #tpu.memory_space<vmem>>
        %dma_start3A_88 = tpu.memref_squeeze %dma_start3A_87 : memref<1x128x64xf32, #tpu.memory_space<vmem>> -> memref<128x64xf32, #tpu.memory_space<vmem>>
        tpu.enqueue_dma source(%dma_start3A_88 : memref<128x64xf32, #tpu.memory_space<vmem>>) target(%dma_start3A_84 : memref<128x64xf32, #tpu.memory_space<hbm>>) target_semaphore(%run_scoped3A_76 : memref<!tpu.dma_semaphore, #tpu.memory_space<semaphore_mem>>)
        %dma_wait3A_89 = arith.constant 0 : i32
        %dma_wait3A_90 = arith.constant 0 : i32
        %dma_wait3A_91 = tpu.memref_slice %arg6[%run_scoped3A_57, %dma_wait3A_89, %dma_wait3A_90] : memref<2x128x64xf32, #tpu.memory_space<vmem>> -> memref<1x128x64xf32, #tpu.memory_space<vmem>>
        %dma_wait3A_92 = tpu.memref_squeeze %dma_wait3A_91 : memref<1x128x64xf32, #tpu.memory_space<vmem>> -> memref<128x64xf32, #tpu.memory_space<vmem>>
        %dma_wait3A_93 = arith.constant 0 : i32
        %dma_wait3A_94 = tpu.memref_slice %arg4[%add3A_45, %dma_wait3A_93] : memref<131072x64xf32, #tpu.memory_space<hbm>> -> memref<128x64xf32, #tpu.memory_space<hbm>>
        %dma_wait3A_95 = arith.constant 0 : i32
        %dma_wait3A_96 = tpu.memref_slice %arg4[%add3A_45, %dma_wait3A_95] : memref<131072x64xf32, #tpu.memory_space<hbm>> -> memref<128x64xf32, #tpu.memory_space<hbm>>
        %dma_wait3A_97 = arith.constant 0 : i32
        %dma_wait3A_98 = arith.constant 0 : i32
        %dma_wait3A_99 = tpu.memref_slice %arg6[%run_scoped3A_57, %dma_wait3A_97, %dma_wait3A_98] : memref<2x128x64xf32, #tpu.memory_space<vmem>> -> memref<1x128x64xf32, #tpu.memory_space<vmem>>
        %dma_wait3A_100 = tpu.memref_squeeze %dma_wait3A_99 : memref<1x128x64xf32, #tpu.memory_space<vmem>> -> memref<128x64xf32, #tpu.memory_space<vmem>>
        tpu.wait_dma2 semaphore(%run_scoped3A_76 : memref<!tpu.dma_semaphore, #tpu.memory_space<semaphore_mem>>) src(%dma_wait3A_100 : memref<128x64xf32, #tpu.memory_space<vmem>>) dst(%dma_wait3A_96 : memref<128x64xf32, #tpu.memory_space<hbm>>)
        tpu.yield
      }) : () -> ()
      %add3A_58 = arith.constant 1 : i32
      %add3A_59 = arith.addi %mul3A_10, %add3A_58 : i32
      %mul3A_60 = arith.constant 128 : i32
      %mul3A_61 = arith.muli %add3A_59, %mul3A_60 : i32
      %add3A_62 = arith.addi %mul3A_2, %mul3A_61 : i32
      %dma_wait3A_63 = arith.constant 1 : i32
      %dma_wait3A_64 = arith.constant 1 : i32
      %dma_wait3A_65 = arith.constant 0 : i32
      %dma_wait3A_66 = arith.constant 0 : i32
      %dma_wait3A_67 = tpu.memref_slice %arg6[%dma_wait3A_64, %dma_wait3A_65, %dma_wait3A_66] : memref<2x128x64xf32, #tpu.memory_space<vmem>> -> memref<1x128x64xf32, #tpu.memory_space<vmem>>
      %dma_wait3A_68 = tpu.memref_squeeze %dma_wait3A_67 : memref<1x128x64xf32, #tpu.memory_space<vmem>> -> memref<128x64xf32, #tpu.memory_space<vmem>>
      %dma_wait3A_69 = arith.constant 0 : i32
      %dma_wait3A_70 = tpu.memref_slice %arg5[%dma_wait3A_63, %dma_wait3A_69] : memref<2x128xi32, #tpu.memory_space<vmem>> -> memref<1x128xi32, #tpu.memory_space<vmem>>
      %dma_wait3A_71 = tpu.memref_squeeze %dma_wait3A_70 : memref<1x128xi32, #tpu.memory_space<vmem>> -> memref<128xi32, #tpu.memory_space<vmem>>
      %dma_wait3A_72 = arith.constant 0 : i32
      %dma_wait3A_73 = arith.constant 0 : i32
      %dma_wait3A_74 = tpu.memref_slice %arg3[%dma_wait3A_72, %dma_wait3A_73] : memref<8192x64xf32, #tpu.memory_space<hbm>> -> memref<8192x64xf32, #tpu.memory_space<hbm>>
      tpu.wait_indirect_dma semaphore(%arg8 : memref<!tpu.dma_semaphore, #tpu.memory_space<semaphore_mem>>) src(%dma_wait3A_74 : memref<8192x64xf32, #tpu.memory_space<hbm>>) dst(%dma_wait3A_68 : memref<128x64xf32, #tpu.memory_space<vmem>>)
      %run_scoped3A_75 = arith.constant 1 : i32
      "tpu.region"() ({
        %run_scoped3A_76 = tpu.sem_alloc : memref<!tpu.dma_semaphore, #tpu.memory_space<semaphore_mem>>
        %dma_start3A_77 = arith.constant 0 : i32
        %dma_start3A_78 = arith.constant 0 : i32
        %dma_start3A_79 = tpu.memref_slice %arg6[%run_scoped3A_75, %dma_start3A_77, %dma_start3A_78] : memref<2x128x64xf32, #tpu.memory_space<vmem>> -> memref<1x128x64xf32, #tpu.memory_space<vmem>>
        %dma_start3A_80 = tpu.memref_squeeze %dma_start3A_79 : memref<1x128x64xf32, #tpu.memory_space<vmem>> -> memref<128x64xf32, #tpu.memory_space<vmem>>
        %dma_start3A_81 = arith.constant 0 : i32
        %dma_start3A_82 = tpu.memref_slice %arg4[%add3A_62, %dma_start3A_81] : memref<131072x64xf32, #tpu.memory_space<hbm>> -> memref<128x64xf32, #tpu.memory_space<hbm>>
        %dma_start3A_83 = arith.constant 0 : i32
        %dma_start3A_84 = tpu.memref_slice %arg4[%add3A_62, %dma_start3A_83] : memref<131072x64xf32, #tpu.memory_space<hbm>> -> memref<128x64xf32, #tpu.memory_space<hbm>>
        %dma_start3A_85 = arith.constant 0 : i32
        %dma_start3A_86 = arith.constant 0 : i32
        %dma_start3A_87 = tpu.memref_slice %arg6[%run_scoped3A_75, %dma_start3A_85, %dma_start3A_86] : memref<2x128x64xf32, #tpu.memory_space<vmem>> -> memref<1x128x64xf32, #tpu.memory_space<vmem>>
        %dma_start3A_88 = tpu.memref_squeeze %dma_start3A_87 : memref<1x128x64xf32, #tpu.memory_space<vmem>> -> memref<128x64xf32, #tpu.memory_space<vmem>>
        tpu.enqueue_dma source(%dma_start3A_88 : memref<128x64xf32, #tpu.memory_space<vmem>>) target(%dma_start3A_84 : memref<128x64xf32, #tpu.memory_space<hbm>>) target_semaphore(%run_scoped3A_76 : memref<!tpu.dma_semaphore, #tpu.memory_space<semaphore_mem>>)
        %dma_wait3A_89 = arith.constant 0 : i32
        %dma_wait3A_90 = arith.constant 0 : i32
        %dma_wait3A_91 = tpu.memref_slice %arg6[%run_scoped3A_75, %dma_wait3A_89, %dma_wait3A_90] : memref<2x128x64xf32, #tpu.memory_space<vmem>> -> memref<1x128x64xf32, #tpu.memory_space<vmem>>
        %dma_wait3A_92 = tpu.memref_squeeze %dma_wait3A_91 : memref<1x128x64xf32, #tpu.memory_space<vmem>> -> memref<128x64xf32, #tpu.memory_space<vmem>>
        %dma_wait3A_93 = arith.constant 0 : i32
        %dma_wait3A_94 = tpu.memref_slice %arg4[%add3A_62, %dma_wait3A_93] : memref<131072x64xf32, #tpu.memory_space<hbm>> -> memref<128x64xf32, #tpu.memory_space<hbm>>
        %dma_wait3A_95 = arith.constant 0 : i32
        %dma_wait3A_96 = tpu.memref_slice %arg4[%add3A_62, %dma_wait3A_95] : memref<131072x64xf32, #tpu.memory_space<hbm>> -> memref<128x64xf32, #tpu.memory_space<hbm>>
        %dma_wait3A_97 = arith.constant 0 : i32
        %dma_wait3A_98 = arith.constant 0 : i32
        %dma_wait3A_99 = tpu.memref_slice %arg6[%run_scoped3A_75, %dma_wait3A_97, %dma_wait3A_98] : memref<2x128x64xf32, #tpu.memory_space<vmem>> -> memref<1x128x64xf32, #tpu.memory_space<vmem>>
        %dma_wait3A_100 = tpu.memref_squeeze %dma_wait3A_99 : memref<1x128x64xf32, #tpu.memory_space<vmem>> -> memref<128x64xf32, #tpu.memory_space<vmem>>
        tpu.wait_dma2 semaphore(%run_scoped3A_76 : memref<!tpu.dma_semaphore, #tpu.memory_space<semaphore_mem>>) src(%dma_wait3A_100 : memref<128x64xf32, #tpu.memory_space<vmem>>) dst(%dma_wait3A_96 : memref<128x64xf32, #tpu.memory_space<hbm>>)
        tpu.yield
      }) : () -> ()
    }
    %scan3A_7 = arith.constant 16 : i32
    return
  }
}

module attributes {stable_mosaic.version = 14 : i64} {
  func.func @_stage0_body(%arg0: i32, %arg1: i32, %arg2: memref<1x1024x64xf32, #tpu.memory_space<vmem>>, %arg3: memref<1x1024x64xf32, #tpu.memory_space<vmem>>, %arg4: memref<1x1024x16xf32, #tpu.memory_space<vmem>>, %arg5: memref<1x1024x16xf32, #tpu.memory_space<vmem>>, %arg6: memref<64x64xf32, #tpu.memory_space<vmem>>, %arg7: memref<1x64xf32, #tpu.memory_space<vmem>>, %arg8: memref<64x64xf32, #tpu.memory_space<vmem>>, %arg9: memref<1x64xf32, #tpu.memory_space<vmem>>, %arg10: memref<64x32xf32, #tpu.memory_space<vmem>>, %arg11: memref<1x32xf32, #tpu.memory_space<vmem>>, %arg12: memref<16x64xf32, #tpu.memory_space<vmem>>, %arg13: memref<1x64xf32, #tpu.memory_space<vmem>>, %arg14: memref<1x1024x64xf32, #tpu.memory_space<vmem>>, %arg15: memref<1x1024x64xf32, #tpu.memory_space<vmem>>, %arg16: memref<1x1024x32xf32, #tpu.memory_space<vmem>>, %arg17: memref<1x1024x32xf32, #tpu.memory_space<vmem>>) attributes {dimension_semantics = [#tpu.dimension_semantics<arbitrary>, #tpu.dimension_semantics<arbitrary>], iteration_bounds = array<i64: 4, 4>, scalar_prefetch = 0 : i64, scratch_operands = 0 : i64, tpu.core_type = #tpu.core_type<tc>, window_params = [{transform_indices = @transform_0, window_bounds = array<i64: 1, 1024, 64>}, {transform_indices = @transform_1, window_bounds = array<i64: 1, 1024, 64>}, {transform_indices = @transform_2, window_bounds = array<i64: 1, 1024, 16>}, {transform_indices = @transform_3, window_bounds = array<i64: 1, 1024, 16>}, {pipeline_mode = #tpu.pipeline_mode<synchronous>, transform_indices = @transform_4, window_bounds = array<i64: 64, 64>}, {pipeline_mode = #tpu.pipeline_mode<synchronous>, transform_indices = @transform_5, window_bounds = array<i64: 1, 64>}, {pipeline_mode = #tpu.pipeline_mode<synchronous>, transform_indices = @transform_6, window_bounds = array<i64: 64, 64>}, {pipeline_mode = #tpu.pipeline_mode<synchronous>, transform_indices = @transform_7, window_bounds = array<i64: 1, 64>}, {pipeline_mode = #tpu.pipeline_mode<synchronous>, transform_indices = @transform_8, window_bounds = array<i64: 64, 32>}, {pipeline_mode = #tpu.pipeline_mode<synchronous>, transform_indices = @transform_9, window_bounds = array<i64: 1, 32>}, {pipeline_mode = #tpu.pipeline_mode<synchronous>, transform_indices = @transform_10, window_bounds = array<i64: 16, 64>}, {pipeline_mode = #tpu.pipeline_mode<synchronous>, transform_indices = @transform_11, window_bounds = array<i64: 1, 64>}, {transform_indices = @transform_12, window_bounds = array<i64: 1, 1024, 64>}, {transform_indices = @transform_13, window_bounds = array<i64: 1, 1024, 64>}, {transform_indices = @transform_14, window_bounds = array<i64: 1, 1024, 32>}, {transform_indices = @transform_15, window_bounds = array<i64: 1, 1024, 32>}]} {
    %get3A = arith.constant 0 : index
    %get3A_0 = arith.constant 0 : index
    %get3A_1 = arith.constant 0 : index
    %get3A_2 = vector.load %arg2[%get3A, %get3A_0, %get3A_1] : memref<1x1024x64xf32, #tpu.memory_space<vmem>>, vector<1x1024x64xf32>
    %get3A_3 = vector.shape_cast %get3A_2 : vector<1x1024x64xf32> to vector<1024x64xf32>
    %get3A_4 = arith.constant 0 : index
    %get3A_5 = arith.constant 0 : index
    %get3A_6 = arith.constant 0 : index
    %get3A_7 = vector.load %arg3[%get3A_4, %get3A_5, %get3A_6] : memref<1x1024x64xf32, #tpu.memory_space<vmem>>, vector<1x1024x64xf32>
    %get3A_8 = vector.shape_cast %get3A_7 : vector<1x1024x64xf32> to vector<1024x64xf32>
    %get3A_9 = arith.constant 0 : index
    %get3A_10 = arith.constant 0 : index
    %get3A_11 = arith.constant 0 : index
    %get3A_12 = vector.load %arg4[%get3A_9, %get3A_10, %get3A_11] : memref<1x1024x16xf32, #tpu.memory_space<vmem>>, vector<1x1024x16xf32>
    %get3A_13 = vector.shape_cast %get3A_12 : vector<1x1024x16xf32> to vector<1024x16xf32>
    %get3A_14 = arith.constant 0 : index
    %get3A_15 = arith.constant 0 : index
    %get3A_16 = arith.constant 0 : index
    %get3A_17 = vector.load %arg5[%get3A_14, %get3A_15, %get3A_16] : memref<1x1024x16xf32, #tpu.memory_space<vmem>>, vector<1x1024x16xf32>
    %get3A_18 = vector.shape_cast %get3A_17 : vector<1x1024x16xf32> to vector<1024x16xf32>
    %get3A_19 = arith.constant 0 : index
    %get3A_20 = arith.constant 0 : index
    %get3A_21 = vector.load %arg6[%get3A_19, %get3A_20] : memref<64x64xf32, #tpu.memory_space<vmem>>, vector<64x64xf32>
    %convert_element_type3A = arith.truncf %get3A_3 : vector<1024x64xf32> to vector<1024x64xbf16>
    %convert_element_type3A_22 = arith.truncf %get3A_21 : vector<64x64xf32> to vector<64x64xbf16>
    %dot_general3A = arith.constant dense<0.000000e+00> : vector<1024x64xf32>
    %dot_general3A_23 = tpu.matmul %convert_element_type3A, %convert_element_type3A_22, %dot_general3A {dimension_numbers = #tpu.dot_dimension_numbers<[1], [0], [0], [1], [0, 0, 1, 1], [], []>, transpose_lhs_hint = false} : vector<1024x64xbf16>, vector<64x64xbf16>, vector<1024x64xf32> -> vector<1024x64xf32>
    %get3A_24 = arith.constant 0 : index
    %get3A_25 = arith.constant 0 : index
    %get3A_26 = vector.load %arg7[%get3A_24, %get3A_25] : memref<1x64xf32, #tpu.memory_space<vmem>>, vector<1x64xf32>
    %add3A = vector.broadcast %get3A_26 : vector<1x64xf32> to vector<1024x64xf32>
    %add3A_27 = arith.addf %dot_general3A_23, %add3A : vector<1024x64xf32>
    %get3A_28 = arith.constant 0 : index
    %get3A_29 = arith.constant 0 : index
    %get3A_30 = vector.load %arg8[%get3A_28, %get3A_29] : memref<64x64xf32, #tpu.memory_space<vmem>>, vector<64x64xf32>
    %convert_element_type3A_31 = arith.truncf %get3A_8 : vector<1024x64xf32> to vector<1024x64xbf16>
    %convert_element_type3A_32 = arith.truncf %get3A_30 : vector<64x64xf32> to vector<64x64xbf16>
    %dot_general3A_33 = arith.constant dense<0.000000e+00> : vector<1024x64xf32>
    %dot_general3A_34 = tpu.matmul %convert_element_type3A_31, %convert_element_type3A_32, %dot_general3A_33 {dimension_numbers = #tpu.dot_dimension_numbers<[1], [0], [0], [1], [0, 0, 1, 1], [], []>, transpose_lhs_hint = false} : vector<1024x64xbf16>, vector<64x64xbf16>, vector<1024x64xf32> -> vector<1024x64xf32>
    %get3A_35 = arith.constant 0 : index
    %get3A_36 = arith.constant 0 : index
    %get3A_37 = vector.load %arg9[%get3A_35, %get3A_36] : memref<1x64xf32, #tpu.memory_space<vmem>>, vector<1x64xf32>
    %add3A_38 = vector.broadcast %get3A_37 : vector<1x64xf32> to vector<1024x64xf32>
    %add3A_39 = arith.addf %dot_general3A_34, %add3A_38 : vector<1024x64xf32>
    %get3A_40 = arith.constant 0 : index
    %get3A_41 = arith.constant 0 : index
    %get3A_42 = vector.load %arg12[%get3A_40, %get3A_41] : memref<16x64xf32, #tpu.memory_space<vmem>>, vector<16x64xf32>
    %convert_element_type3A_43 = arith.truncf %get3A_13 : vector<1024x16xf32> to vector<1024x16xbf16>
    %convert_element_type3A_44 = arith.truncf %get3A_42 : vector<16x64xf32> to vector<16x64xbf16>
    %dot_general3A_45 = arith.constant dense<0.000000e+00> : vector<1024x64xf32>
    %dot_general3A_46 = tpu.matmul %convert_element_type3A_43, %convert_element_type3A_44, %dot_general3A_45 {dimension_numbers = #tpu.dot_dimension_numbers<[1], [0], [0], [1], [0, 0, 1, 1], [], []>, transpose_lhs_hint = false} : vector<1024x16xbf16>, vector<16x64xbf16>, vector<1024x64xf32> -> vector<1024x64xf32>
    %sub3A = arith.subf %add3A_27, %dot_general3A_46 : vector<1024x64xf32>
    %get3A_47 = arith.constant 0 : index
    %get3A_48 = arith.constant 0 : index
    %get3A_49 = vector.load %arg13[%get3A_47, %get3A_48] : memref<1x64xf32, #tpu.memory_space<vmem>>, vector<1x64xf32>
    %add3A_50 = vector.broadcast %get3A_49 : vector<1x64xf32> to vector<1024x64xf32>
    %add3A_51 = arith.addf %sub3A, %add3A_50 : vector<1024x64xf32>
    %swap3A = arith.constant 0 : index
    %swap3A_52 = arith.constant 0 : index
    %swap3A_53 = arith.constant 0 : index
    %swap3A_54 = vector.load %arg14[%swap3A, %swap3A_52, %swap3A_53] : memref<1x1024x64xf32, #tpu.memory_space<vmem>>, vector<1x1024x64xf32>
    %swap3A_55 = vector.shape_cast %swap3A_54 : vector<1x1024x64xf32> to vector<1024x64xf32>
    %swap3A_56 = vector.shape_cast %add3A_51 : vector<1024x64xf32> to vector<1x1024x64xf32>
    tpu.vector_store %arg14[%swap3A, %swap3A_52, %swap3A_53], %swap3A_56 {strides = array<i32>} : memref<1x1024x64xf32, #tpu.memory_space<vmem>>, vector<1x1024x64xf32>,
    %get3A_57 = arith.constant 0 : index
    %get3A_58 = arith.constant 0 : index
    %get3A_59 = vector.load %arg12[%get3A_57, %get3A_58] : memref<16x64xf32, #tpu.memory_space<vmem>>, vector<16x64xf32>
    %convert_element_type3A_60 = arith.truncf %get3A_18 : vector<1024x16xf32> to vector<1024x16xbf16>
    %convert_element_type3A_61 = arith.truncf %get3A_59 : vector<16x64xf32> to vector<16x64xbf16>
    %dot_general3A_62 = arith.constant dense<0.000000e+00> : vector<1024x64xf32>
    %dot_general3A_63 = tpu.matmul %convert_element_type3A_60, %convert_element_type3A_61, %dot_general3A_62 {dimension_numbers = #tpu.dot_dimension_numbers<[1], [0], [0], [1], [0, 0, 1, 1], [], []>, transpose_lhs_hint = false} : vector<1024x16xbf16>, vector<16x64xbf16>, vector<1024x64xf32> -> vector<1024x64xf32>
    %add3A_64 = arith.addf %add3A_39, %dot_general3A_63 : vector<1024x64xf32>
    %swap3A_65 = arith.constant 0 : index
    %swap3A_66 = arith.constant 0 : index
    %swap3A_67 = arith.constant 0 : index
    %swap3A_68 = vector.load %arg15[%swap3A_65, %swap3A_66, %swap3A_67] : memref<1x1024x64xf32, #tpu.memory_space<vmem>>, vector<1x1024x64xf32>
    %swap3A_69 = vector.shape_cast %swap3A_68 : vector<1x1024x64xf32> to vector<1024x64xf32>
    %swap3A_70 = vector.shape_cast %add3A_64 : vector<1024x64xf32> to vector<1x1024x64xf32>
    tpu.vector_store %arg15[%swap3A_65, %swap3A_66, %swap3A_67], %swap3A_70 {strides = array<i32>} : memref<1x1024x64xf32, #tpu.memory_space<vmem>>, vector<1x1024x64xf32>,
    %get3A_71 = arith.constant 0 : index
    %get3A_72 = arith.constant 0 : index
    %get3A_73 = vector.load %arg10[%get3A_71, %get3A_72] : memref<64x32xf32, #tpu.memory_space<vmem>>, vector<64x32xf32>
    %convert_element_type3A_74 = arith.truncf %add3A_27 : vector<1024x64xf32> to vector<1024x64xbf16>
    %convert_element_type3A_75 = arith.truncf %get3A_73 : vector<64x32xf32> to vector<64x32xbf16>
    %dot_general3A_76 = arith.constant dense<0.000000e+00> : vector<1024x32xf32>
    %dot_general3A_77 = tpu.matmul %convert_element_type3A_74, %convert_element_type3A_75, %dot_general3A_76 {dimension_numbers = #tpu.dot_dimension_numbers<[1], [0], [0], [1], [0, 0, 1, 1], [], []>, transpose_lhs_hint = false} : vector<1024x64xbf16>, vector<64x32xbf16>, vector<1024x32xf32> -> vector<1024x32xf32>
    %get3A_78 = arith.constant 0 : index
    %get3A_79 = arith.constant 0 : index
    %get3A_80 = vector.load %arg11[%get3A_78, %get3A_79] : memref<1x32xf32, #tpu.memory_space<vmem>>, vector<1x32xf32>
    %add3A_81 = vector.broadcast %get3A_80 : vector<1x32xf32> to vector<1024x32xf32>
    %add3A_82 = arith.addf %dot_general3A_77, %add3A_81 : vector<1024x32xf32>
    %get3A_83 = arith.constant 0 : index
    %get3A_84 = arith.constant 0 : index
    %get3A_85 = vector.load %arg10[%get3A_83, %get3A_84] : memref<64x32xf32, #tpu.memory_space<vmem>>, vector<64x32xf32>
    %convert_element_type3A_86 = arith.truncf %add3A_39 : vector<1024x64xf32> to vector<1024x64xbf16>
    %convert_element_type3A_87 = arith.truncf %get3A_85 : vector<64x32xf32> to vector<64x32xbf16>
    %dot_general3A_88 = arith.constant dense<0.000000e+00> : vector<1024x32xf32>
    %dot_general3A_89 = tpu.matmul %convert_element_type3A_86, %convert_element_type3A_87, %dot_general3A_88 {dimension_numbers = #tpu.dot_dimension_numbers<[1], [0], [0], [1], [0, 0, 1, 1], [], []>, transpose_lhs_hint = false} : vector<1024x64xbf16>, vector<64x32xbf16>, vector<1024x32xf32> -> vector<1024x32xf32>
    %get3A_90 = arith.constant 0 : index
    %get3A_91 = arith.constant 0 : index
    %get3A_92 = vector.load %arg11[%get3A_90, %get3A_91] : memref<1x32xf32, #tpu.memory_space<vmem>>, vector<1x32xf32>
    %add3A_93 = vector.broadcast %get3A_92 : vector<1x32xf32> to vector<1024x32xf32>
    %add3A_94 = arith.addf %dot_general3A_89, %add3A_93 : vector<1024x32xf32>
    %mul3A = arith.mulf %add3A_82, %add3A_82 : vector<1024x32xf32>
    %reduce_sum3A = arith.constant dense<0.000000e+00> : vector<1024xf32>
    %reduce_sum3A_95 = vector.multi_reduction <add>, %mul3A, %reduce_sum3A [1] : vector<1024x32xf32> to vector<1024xf32>
    %broadcast_in_dim3A = vector.shape_cast %reduce_sum3A_95 : vector<1024xf32> to vector<1024x1xf32>
    %sqrt3A = math.sqrt %broadcast_in_dim3A : vector<1024x1xf32>
    %mul3A_96 = arith.mulf %add3A_94, %add3A_94 : vector<1024x32xf32>
    %reduce_sum3A_97 = arith.constant dense<0.000000e+00> : vector<1024xf32>
    %reduce_sum3A_98 = vector.multi_reduction <add>, %mul3A_96, %reduce_sum3A_97 [1] : vector<1024x32xf32> to vector<1024xf32>
    %broadcast_in_dim3A_99 = vector.shape_cast %reduce_sum3A_98 : vector<1024xf32> to vector<1024x1xf32>
    %sqrt3A_100 = math.sqrt %broadcast_in_dim3A_99 : vector<1024x1xf32>
    %add3A_101 = arith.constant 9.99999993E-9 : f32
    %add3A_102 = vector.broadcast %add3A_101 : f32 to vector<1024x1xf32>
    %add3A_103 = arith.addf %sqrt3A, %add3A_102 : vector<1024x1xf32>
    %div3A = vector.broadcast %add3A_103 : vector<1024x1xf32> to vector<1024x32xf32>
    %div3A_104 = arith.divf %add3A_82, %div3A : vector<1024x32xf32>
    %swap3A_105 = arith.constant 0 : index
    %swap3A_106 = arith.constant 0 : index
    %swap3A_107 = arith.constant 0 : index
    %swap3A_108 = vector.load %arg16[%swap3A_105, %swap3A_106, %swap3A_107] : memref<1x1024x32xf32, #tpu.memory_space<vmem>>, vector<1x1024x32xf32>
    %swap3A_109 = vector.shape_cast %swap3A_108 : vector<1x1024x32xf32> to vector<1024x32xf32>
    %swap3A_110 = vector.shape_cast %div3A_104 : vector<1024x32xf32> to vector<1x1024x32xf32>
    tpu.vector_store %arg16[%swap3A_105, %swap3A_106, %swap3A_107], %swap3A_110 {strides = array<i32>} : memref<1x1024x32xf32, #tpu.memory_space<vmem>>, vector<1x1024x32xf32>,
    %add3A_111 = arith.constant 9.99999993E-9 : f32
    %add3A_112 = vector.broadcast %add3A_111 : f32 to vector<1024x1xf32>
    %add3A_113 = arith.addf %sqrt3A_100, %add3A_112 : vector<1024x1xf32>
    %div3A_114 = vector.broadcast %add3A_113 : vector<1024x1xf32> to vector<1024x32xf32>
    %div3A_115 = arith.divf %add3A_94, %div3A_114 : vector<1024x32xf32>
    %swap3A_116 = arith.constant 0 : index
    %swap3A_117 = arith.constant 0 : index
    %swap3A_118 = arith.constant 0 : index
    %swap3A_119 = vector.load %arg17[%swap3A_116, %swap3A_117, %swap3A_118] : memref<1x1024x32xf32, #tpu.memory_space<vmem>>, vector<1x1024x32xf32>
    %swap3A_120 = vector.shape_cast %swap3A_119 : vector<1x1024x32xf32> to vector<1024x32xf32>
    %swap3A_121 = vector.shape_cast %div3A_115 : vector<1024x32xf32> to vector<1x1024x32xf32>
    tpu.vector_store %arg17[%swap3A_116, %swap3A_117, %swap3A_118], %swap3A_121 {strides = array<i32>} : memref<1x1024x32xf32, #tpu.memory_space<vmem>>, vector<1x1024x32xf32>,
    return
  }
  func.func @transform_0(%arg0: i32, %arg1: i32) -> (i32, i32, i32) {
    %c0_i32 = arith.constant 0 : i32
    %c0_i32_0 = arith.constant 0 : i32
    return %arg0, %arg1, %c0_i32 : i32, i32, i32
  }
  func.func @transform_1(%arg0: i32, %arg1: i32) -> (i32, i32, i32) {
    %c0_i32 = arith.constant 0 : i32
    %c0_i32_0 = arith.constant 0 : i32
    return %arg0, %arg1, %c0_i32 : i32, i32, i32
  }
  func.func @transform_2(%arg0: i32, %arg1: i32) -> (i32, i32, i32) {
    %c0_i32 = arith.constant 0 : i32
    %c0_i32_0 = arith.constant 0 : i32
    return %arg0, %arg1, %c0_i32 : i32, i32, i32
  }
  func.func @transform_3(%arg0: i32, %arg1: i32) -> (i32, i32, i32) {
    %c0_i32 = arith.constant 0 : i32
    %c0_i32_0 = arith.constant 0 : i32
    return %arg0, %arg1, %c0_i32 : i32, i32, i32
  }
  func.func @transform_4(%arg0: i32, %arg1: i32) -> (i32, i32) {
    %c0_i32 = arith.constant 0 : i32
    %c0_i32_0 = arith.constant 0 : i32
    %c0_i32_1 = arith.constant 0 : i32
    return %c0_i32, %c0_i32_0 : i32, i32
  }
  func.func @transform_5(%arg0: i32, %arg1: i32) -> (i32, i32) {
    %c0_i32 = arith.constant 0 : i32
    %c0_i32_0 = arith.constant 0 : i32
    %c0_i32_1 = arith.constant 0 : i32
    return %c0_i32, %c0_i32_0 : i32, i32
  }
  func.func @transform_6(%arg0: i32, %arg1: i32) -> (i32, i32) {
    %c0_i32 = arith.constant 0 : i32
    %c0_i32_0 = arith.constant 0 : i32
    %c0_i32_1 = arith.constant 0 : i32
    return %c0_i32, %c0_i32_0 : i32, i32
  }
  func.func @transform_7(%arg0: i32, %arg1: i32) -> (i32, i32) {
    %c0_i32 = arith.constant 0 : i32
    %c0_i32_0 = arith.constant 0 : i32
    %c0_i32_1 = arith.constant 0 : i32
    return %c0_i32, %c0_i32_0 : i32, i32
  }
  func.func @transform_8(%arg0: i32, %arg1: i32) -> (i32, i32) {
    %c0_i32 = arith.constant 0 : i32
    %c0_i32_0 = arith.constant 0 : i32
    %c0_i32_1 = arith.constant 0 : i32
    return %c0_i32, %c0_i32_0 : i32, i32
  }
  func.func @transform_9(%arg0: i32, %arg1: i32) -> (i32, i32) {
    %c0_i32 = arith.constant 0 : i32
    %c0_i32_0 = arith.constant 0 : i32
    %c0_i32_1 = arith.constant 0 : i32
    return %c0_i32, %c0_i32_0 : i32, i32
  }
  func.func @transform_10(%arg0: i32, %arg1: i32) -> (i32, i32) {
    %c0_i32 = arith.constant 0 : i32
    %c0_i32_0 = arith.constant 0 : i32
    %c0_i32_1 = arith.constant 0 : i32
    return %c0_i32, %c0_i32_0 : i32, i32
  }
  func.func @transform_11(%arg0: i32, %arg1: i32) -> (i32, i32) {
    %c0_i32 = arith.constant 0 : i32
    %c0_i32_0 = arith.constant 0 : i32
    %c0_i32_1 = arith.constant 0 : i32
    return %c0_i32, %c0_i32_0 : i32, i32
  }
  func.func @transform_12(%arg0: i32, %arg1: i32) -> (i32, i32, i32) {
    %c0_i32 = arith.constant 0 : i32
    %c0_i32_0 = arith.constant 0 : i32
    return %arg0, %arg1, %c0_i32 : i32, i32, i32
  }
  func.func @transform_13(%arg0: i32, %arg1: i32) -> (i32, i32, i32) {
    %c0_i32 = arith.constant 0 : i32
    %c0_i32_0 = arith.constant 0 : i32
    return %arg0, %arg1, %c0_i32 : i32, i32, i32
  }
  func.func @transform_14(%arg0: i32, %arg1: i32) -> (i32, i32, i32) {
    %c0_i32 = arith.constant 0 : i32
    %c0_i32_0 = arith.constant 0 : i32
    return %arg0, %arg1, %c0_i32 : i32, i32, i32
  }
  func.func @transform_15(%arg0: i32, %arg1: i32) -> (i32, i32, i32) {
    %c0_i32 = arith.constant 0 : i32
    %c0_i32_0 = arith.constant 0 : i32
    return %arg0, %arg1, %c0_i32 : i32, i32, i32
  }
}

module attributes {stable_mosaic.version = 14 : i64} {
  func.func @_stage1_body(%arg0: i32, %arg1: i32, %arg2: memref<1x512x32xf32, #tpu.memory_space<vmem>>, %arg3: memref<1x4096x32xf32, #tpu.memory_space<vmem>>, %arg4: memref<1x512x16xf32, #tpu.memory_space<vmem>>, %arg5: memref<1x4096x16xf32, #tpu.memory_space<vmem>>, %arg6: memref<1x16x4096xf32, #tpu.memory_space<vmem>>, %arg7: memref<1x512x16xi32, #tpu.memory_space<vmem>>) attributes {dimension_semantics = [#tpu.dimension_semantics<arbitrary>, #tpu.dimension_semantics<arbitrary>], iteration_bounds = array<i64: 2, 8>, scalar_prefetch = 0 : i64, scratch_operands = 0 : i64, tpu.core_type = #tpu.core_type<tc>, window_params = [{transform_indices = @transform_0, window_bounds = array<i64: 1, 512, 32>}, {transform_indices = @transform_1, window_bounds = array<i64: 1, 4096, 32>}, {transform_indices = @transform_2, window_bounds = array<i64: 1, 512, 16>}, {transform_indices = @transform_3, window_bounds = array<i64: 1, 4096, 16>}, {transform_indices = @transform_4, window_bounds = array<i64: 1, 16, 4096>}, {transform_indices = @transform_5, window_bounds = array<i64: 1, 512, 16>}]} {
    %get3A = arith.constant 0 : index
    %get3A_0 = arith.constant 0 : index
    %get3A_1 = arith.constant 0 : index
    %get3A_2 = vector.load %arg2[%get3A, %get3A_0, %get3A_1] : memref<1x512x32xf32, #tpu.memory_space<vmem>>, vector<1x512x32xf32>
    %get3A_3 = vector.shape_cast %get3A_2 : vector<1x512x32xf32> to vector<512x32xf32>
    %get3A_4 = arith.constant 0 : index
    %get3A_5 = arith.constant 0 : index
    %get3A_6 = arith.constant 0 : index
    %get3A_7 = vector.load %arg3[%get3A_4, %get3A_5, %get3A_6] : memref<1x4096x32xf32, #tpu.memory_space<vmem>>, vector<1x4096x32xf32>
    %get3A_8 = vector.shape_cast %get3A_7 : vector<1x4096x32xf32> to vector<4096x32xf32>
    %get3A_9 = arith.constant 0 : index
    %get3A_10 = arith.constant 0 : index
    %get3A_11 = arith.constant 0 : index
    %get3A_12 = vector.load %arg4[%get3A_9, %get3A_10, %get3A_11] : memref<1x512x16xf32, #tpu.memory_space<vmem>>, vector<1x512x16xf32>
    %get3A_13 = vector.shape_cast %get3A_12 : vector<1x512x16xf32> to vector<512x16xf32>
    %get3A_14 = arith.constant 0 : index
    %get3A_15 = arith.constant 0 : index
    %get3A_16 = arith.constant 0 : index
    %get3A_17 = vector.load %arg5[%get3A_14, %get3A_15, %get3A_16] : memref<1x4096x16xf32, #tpu.memory_space<vmem>>, vector<1x4096x16xf32>
    %get3A_18 = vector.shape_cast %get3A_17 : vector<1x4096x16xf32> to vector<4096x16xf32>
    %get3A_19 = arith.constant 0 : index
    %get3A_20 = arith.constant 0 : index
    %get3A_21 = arith.constant 0 : index
    %get3A_22 = vector.load %arg6[%get3A_19, %get3A_20, %get3A_21] : memref<1x16x4096xf32, #tpu.memory_space<vmem>>, vector<1x16x4096xf32>
    %get3A_23 = vector.shape_cast %get3A_22 : vector<1x16x4096xf32> to vector<16x4096xf32>
    %mul3A = arith.mulf %get3A_13, %get3A_13 : vector<512x16xf32>
    %reduce_sum3A = arith.constant dense<0.000000e+00> : vector<512xf32>
    %reduce_sum3A_24 = vector.multi_reduction <add>, %mul3A, %reduce_sum3A [1] : vector<512x16xf32> to vector<512xf32>
    %broadcast_in_dim3A = vector.shape_cast %reduce_sum3A_24 : vector<512xf32> to vector<512x1xf32>
    %mul3A_25 = arith.mulf %get3A_23, %get3A_23 : vector<16x4096xf32>
    %reduce_sum3A_26 = arith.constant dense<0.000000e+00> : vector<4096xf32>
    %reduce_sum3A_27 = vector.multi_reduction <add>, %mul3A_25, %reduce_sum3A_26 [0] : vector<16x4096xf32> to vector<4096xf32>
    %broadcast_in_dim3A_28 = vector.shape_cast %reduce_sum3A_27 : vector<4096xf32> to vector<1x4096xf32>
    %neg3A = arith.constant 0.000000e+00 : f32
    %neg3A_29 = vector.broadcast %neg3A : f32 to vector<512x32xf32>
    %neg3A_30 = arith.subf %neg3A_29, %get3A_3 : vector<512x32xf32>
    %mul3A_31 = arith.constant -2.000000e+00 : f32
    %mul3A_32 = vector.broadcast %mul3A_31 : f32 to vector<512x16xf32>
    %mul3A_33 = arith.mulf %get3A_13, %mul3A_32 : vector<512x16xf32>
    %concatenate3A = tpu.concatenate %neg3A_30, %mul3A_33 in 1 : vector<512x32xf32>, vector<512x16xf32> -> vector<512x48xf32>
    %concatenate3A_34 = tpu.concatenate %get3A_8, %get3A_18 in 1 : vector<4096x32xf32>, vector<4096x16xf32> -> vector<4096x48xf32>
    %convert_element_type3A = arith.truncf %concatenate3A : vector<512x48xf32> to vector<512x48xbf16>
    %convert_element_type3A_35 = arith.truncf %concatenate3A_34 : vector<4096x48xf32> to vector<4096x48xbf16>
    %dot_general3A = arith.constant dense<0.000000e+00> : vector<512x4096xf32>
    %dot_general3A_36 = tpu.matmul %convert_element_type3A, %convert_element_type3A_35, %dot_general3A {dimension_numbers = #tpu.dot_dimension_numbers<[1], [1], [0], [0], [0, 0, 1, 0], [], []>, transpose_lhs_hint = false} : vector<512x48xbf16>, vector<4096x48xbf16>, vector<512x4096xf32> -> vector<512x4096xf32>
    %add3A = vector.broadcast %broadcast_in_dim3A : vector<512x1xf32> to vector<512x4096xf32>
    %add3A_37 = arith.addf %dot_general3A_36, %add3A : vector<512x4096xf32>
    %add3A_38 = vector.broadcast %broadcast_in_dim3A_28 : vector<1x4096xf32> to vector<512x4096xf32>
    %add3A_39 = arith.addf %add3A_37, %add3A_38 : vector<512x4096xf32>
    %add3A_40 = arith.constant 1.000000e+00 : f32
    %add3A_41 = vector.broadcast %add3A_40 : f32 to vector<512x4096xf32>
    %add3A_42 = arith.addf %add3A_39, %add3A_41 : vector<512x4096xf32>
    %iota3A = tpu.iota {dimensions = array<i32: 1>} : vector<512x4096xi32>
    %convert_element_type3A_43 = arith.sitofp %iota3A : vector<512x4096xi32> to vector<512x4096xf32>
    %reduce_min3A = arith.constant dense<0x7F800000> : vector<512xf32>
    %reduce_min3A_44 = vector.multi_reduction <minimumf>, %add3A_42, %reduce_min3A [1] : vector<512x4096xf32> to vector<512xf32>
    %broadcast_in_dim3A_45 = vector.shape_cast %reduce_min3A_44 : vector<512xf32> to vector<512x1xf32>
    %eq3A = vector.broadcast %broadcast_in_dim3A_45 : vector<512x1xf32> to vector<512x4096xf32>
    %eq3A_46 = arith.cmpf oeq, %add3A_42, %eq3A : vector<512x4096xf32>
    %jit3A = arith.constant 4.096000e+03 : f32
    %broadcast_in_dim3A_47 = vector.broadcast %jit3A : f32 to vector<512x4096xf32>
    %select_n3A = arith.select %eq3A_46, %convert_element_type3A_43, %broadcast_in_dim3A_47 : vector<512x4096xi1>, vector<512x4096xf32>
    %reduce_min3A_48 = arith.constant dense<0x7F800000> : vector<512xf32>
    %reduce_min3A_49 = vector.multi_reduction <minimumf>, %select_n3A, %reduce_min3A_48 [1] : vector<512x4096xf32> to vector<512xf32>
    %broadcast_in_dim3A_50 = vector.shape_cast %reduce_min3A_49 : vector<512xf32> to vector<512x1xf32>
    %eq3A_51 = vector.broadcast %broadcast_in_dim3A_50 : vector<512x1xf32> to vector<512x4096xf32>
    %eq3A_52 = arith.cmpf oeq, %select_n3A, %eq3A_51 : vector<512x4096xf32>
    %jit3A_53 = arith.constant 0x7F800000 : f32
    %broadcast_in_dim3A_54 = vector.broadcast %jit3A_53 : f32 to vector<512x4096xf32>
    %select_n3A_55 = arith.select %eq3A_52, %broadcast_in_dim3A_54, %add3A_42 : vector<512x4096xi1>, vector<512x4096xf32>
    %reduce_min3A_56 = arith.constant dense<0x7F800000> : vector<512xf32>
    %reduce_min3A_57 = vector.multi_reduction <minimumf>, %select_n3A_55, %reduce_min3A_56 [1] : vector<512x4096xf32> to vector<512xf32>
    %broadcast_in_dim3A_58 = vector.shape_cast %reduce_min3A_57 : vector<512xf32> to vector<512x1xf32>
    %eq3A_59 = vector.broadcast %broadcast_in_dim3A_58 : vector<512x1xf32> to vector<512x4096xf32>
    %eq3A_60 = arith.cmpf oeq, %select_n3A_55, %eq3A_59 : vector<512x4096xf32>
    %jit3A_61 = arith.constant 4.096000e+03 : f32
    %broadcast_in_dim3A_62 = vector.broadcast %jit3A_61 : f32 to vector<512x4096xf32>
    %select_n3A_63 = arith.select %eq3A_60, %convert_element_type3A_43, %broadcast_in_dim3A_62 : vector<512x4096xi1>, vector<512x4096xf32>
    %reduce_min3A_64 = arith.constant dense<0x7F800000> : vector<512xf32>
    %reduce_min3A_65 = vector.multi_reduction <minimumf>, %select_n3A_63, %reduce_min3A_64 [1] : vector<512x4096xf32> to vector<512xf32>
    %broadcast_in_dim3A_66 = vector.shape_cast %reduce_min3A_65 : vector<512xf32> to vector<512x1xf32>
    %eq3A_67 = vector.broadcast %broadcast_in_dim3A_66 : vector<512x1xf32> to vector<512x4096xf32>
    %eq3A_68 = arith.cmpf oeq, %select_n3A_63, %eq3A_67 : vector<512x4096xf32>
    %jit3A_69 = arith.constant 0x7F800000 : f32
    %broadcast_in_dim3A_70 = vector.broadcast %jit3A_69 : f32 to vector<512x4096xf32>
    %select_n3A_71 = arith.select %eq3A_68, %broadcast_in_dim3A_70, %select_n3A_55 : vector<512x4096xi1>, vector<512x4096xf32>
    %reduce_min3A_72 = arith.constant dense<0x7F800000> : vector<512xf32>
    %reduce_min3A_73 = vector.multi_reduction <minimumf>, %select_n3A_71, %reduce_min3A_72 [1] : vector<512x4096xf32> to vector<512xf32>
    %broadcast_in_dim3A_74 = vector.shape_cast %reduce_min3A_73 : vector<512xf32> to vector<512x1xf32>
    %eq3A_75 = vector.broadcast %broadcast_in_dim3A_74 : vector<512x1xf32> to vector<512x4096xf32>
    %eq3A_76 = arith.cmpf oeq, %select_n3A_71, %eq3A_75 : vector<512x4096xf32>
    %jit3A_77 = arith.constant 4.096000e+03 : f32
    %broadcast_in_dim3A_78 = vector.broadcast %jit3A_77 : f32 to vector<512x4096xf32>
    %select_n3A_79 = arith.select %eq3A_76, %convert_element_type3A_43, %broadcast_in_dim3A_78 : vector<512x4096xi1>, vector<512x4096xf32>
    %reduce_min3A_80 = arith.constant dense<0x7F800000> : vector<512xf32>
    %reduce_min3A_81 = vector.multi_reduction <minimumf>, %select_n3A_79, %reduce_min3A_80 [1] : vector<512x4096xf32> to vector<512xf32>
    %broadcast_in_dim3A_82 = vector.shape_cast %reduce_min3A_81 : vector<512xf32> to vector<512x1xf32>
    %eq3A_83 = vector.broadcast %broadcast_in_dim3A_82 : vector<512x1xf32> to vector<512x4096xf32>
    %eq3A_84 = arith.cmpf oeq, %select_n3A_79, %eq3A_83 : vector<512x4096xf32>
    %jit3A_85 = arith.constant 0x7F800000 : f32
    %broadcast_in_dim3A_86 = vector.broadcast %jit3A_85 : f32 to vector<512x4096xf32>
    %select_n3A_87 = arith.select %eq3A_84, %broadcast_in_dim3A_86, %select_n3A_71 : vector<512x4096xi1>, vector<512x4096xf32>
    %reduce_min3A_88 = arith.constant dense<0x7F800000> : vector<512xf32>
    %reduce_min3A_89 = vector.multi_reduction <minimumf>, %select_n3A_87, %reduce_min3A_88 [1] : vector<512x4096xf32> to vector<512xf32>
    %broadcast_in_dim3A_90 = vector.shape_cast %reduce_min3A_89 : vector<512xf32> to vector<512x1xf32>
    %eq3A_91 = vector.broadcast %broadcast_in_dim3A_90 : vector<512x1xf32> to vector<512x4096xf32>
    %eq3A_92 = arith.cmpf oeq, %select_n3A_87, %eq3A_91 : vector<512x4096xf32>
    %jit3A_93 = arith.constant 4.096000e+03 : f32
    %broadcast_in_dim3A_94 = vector.broadcast %jit3A_93 : f32 to vector<512x4096xf32>
    %select_n3A_95 = arith.select %eq3A_92, %convert_element_type3A_43, %broadcast_in_dim3A_94 : vector<512x4096xi1>, vector<512x4096xf32>
    %reduce_min3A_96 = arith.constant dense<0x7F800000> : vector<512xf32>
    %reduce_min3A_97 = vector.multi_reduction <minimumf>, %select_n3A_95, %reduce_min3A_96 [1] : vector<512x4096xf32> to vector<512xf32>
    %broadcast_in_dim3A_98 = vector.shape_cast %reduce_min3A_97 : vector<512xf32> to vector<512x1xf32>
    %eq3A_99 = vector.broadcast %broadcast_in_dim3A_98 : vector<512x1xf32> to vector<512x4096xf32>
    %eq3A_100 = arith.cmpf oeq, %select_n3A_95, %eq3A_99 : vector<512x4096xf32>
    %jit3A_101 = arith.constant 0x7F800000 : f32
    %broadcast_in_dim3A_102 = vector.broadcast %jit3A_101 : f32 to vector<512x4096xf32>
    %select_n3A_103 = arith.select %eq3A_100, %broadcast_in_dim3A_102, %select_n3A_87 : vector<512x4096xi1>, vector<512x4096xf32>
    %reduce_min3A_104 = arith.constant dense<0x7F800000> : vector<512xf32>
    %reduce_min3A_105 = vector.multi_reduction <minimumf>, %select_n3A_103, %reduce_min3A_104 [1] : vector<512x4096xf32> to vector<512xf32>
    %broadcast_in_dim3A_106 = vector.shape_cast %reduce_min3A_105 : vector<512xf32> to vector<512x1xf32>
    %eq3A_107 = vector.broadcast %broadcast_in_dim3A_106 : vector<512x1xf32> to vector<512x4096xf32>
    %eq3A_108 = arith.cmpf oeq, %select_n3A_103, %eq3A_107 : vector<512x4096xf32>
    %jit3A_109 = arith.constant 4.096000e+03 : f32
    %broadcast_in_dim3A_110 = vector.broadcast %jit3A_109 : f32 to vector<512x4096xf32>
    %select_n3A_111 = arith.select %eq3A_108, %convert_element_type3A_43, %broadcast_in_dim3A_110 : vector<512x4096xi1>, vector<512x4096xf32>
    %reduce_min3A_112 = arith.constant dense<0x7F800000> : vector<512xf32>
    %reduce_min3A_113 = vector.multi_reduction <minimumf>, %select_n3A_111, %reduce_min3A_112 [1] : vector<512x4096xf32> to vector<512xf32>
    %broadcast_in_dim3A_114 = vector.shape_cast %reduce_min3A_113 : vector<512xf32> to vector<512x1xf32>
    %eq3A_115 = vector.broadcast %broadcast_in_dim3A_114 : vector<512x1xf32> to vector<512x4096xf32>
    %eq3A_116 = arith.cmpf oeq, %select_n3A_111, %eq3A_115 : vector<512x4096xf32>
    %jit3A_117 = arith.constant 0x7F800000 : f32
    %broadcast_in_dim3A_118 = vector.broadcast %jit3A_117 : f32 to vector<512x4096xf32>
    %select_n3A_119 = arith.select %eq3A_116, %broadcast_in_dim3A_118, %select_n3A_103 : vector<512x4096xi1>, vector<512x4096xf32>
    %reduce_min3A_120 = arith.constant dense<0x7F800000> : vector<512xf32>
    %reduce_min3A_121 = vector.multi_reduction <minimumf>, %select_n3A_119, %reduce_min3A_120 [1] : vector<512x4096xf32> to vector<512xf32>
    %broadcast_in_dim3A_122 = vector.shape_cast %reduce_min3A_121 : vector<512xf32> to vector<512x1xf32>
    %eq3A_123 = vector.broadcast %broadcast_in_dim3A_122 : vector<512x1xf32> to vector<512x4096xf32>
    %eq3A_124 = arith.cmpf oeq, %select_n3A_119, %eq3A_123 : vector<512x4096xf32>
    %jit3A_125 = arith.constant 4.096000e+03 : f32
    %broadcast_in_dim3A_126 = vector.broadcast %jit3A_125 : f32 to vector<512x4096xf32>
    %select_n3A_127 = arith.select %eq3A_124, %convert_element_type3A_43, %broadcast_in_dim3A_126 : vector<512x4096xi1>, vector<512x4096xf32>
    %reduce_min3A_128 = arith.constant dense<0x7F800000> : vector<512xf32>
    %reduce_min3A_129 = vector.multi_reduction <minimumf>, %select_n3A_127, %reduce_min3A_128 [1] : vector<512x4096xf32> to vector<512xf32>
    %broadcast_in_dim3A_130 = vector.shape_cast %reduce_min3A_129 : vector<512xf32> to vector<512x1xf32>
    %eq3A_131 = vector.broadcast %broadcast_in_dim3A_130 : vector<512x1xf32> to vector<512x4096xf32>
    %eq3A_132 = arith.cmpf oeq, %select_n3A_127, %eq3A_131 : vector<512x4096xf32>
    %jit3A_133 = arith.constant 0x7F800000 : f32
    %broadcast_in_dim3A_134 = vector.broadcast %jit3A_133 : f32 to vector<512x4096xf32>
    %select_n3A_135 = arith.select %eq3A_132, %broadcast_in_dim3A_134, %select_n3A_119 : vector<512x4096xi1>, vector<512x4096xf32>
    %reduce_min3A_136 = arith.constant dense<0x7F800000> : vector<512xf32>
    %reduce_min3A_137 = vector.multi_reduction <minimumf>, %select_n3A_135, %reduce_min3A_136 [1] : vector<512x4096xf32> to vector<512xf32>
    %broadcast_in_dim3A_138 = vector.shape_cast %reduce_min3A_137 : vector<512xf32> to vector<512x1xf32>
    %eq3A_139 = vector.broadcast %broadcast_in_dim3A_138 : vector<512x1xf32> to vector<512x4096xf32>
    %eq3A_140 = arith.cmpf oeq, %select_n3A_135, %eq3A_139 : vector<512x4096xf32>
    %jit3A_141 = arith.constant 4.096000e+03 : f32
    %broadcast_in_dim3A_142 = vector.broadcast %jit3A_141 : f32 to vector<512x4096xf32>
    %select_n3A_143 = arith.select %eq3A_140, %convert_element_type3A_43, %broadcast_in_dim3A_142 : vector<512x4096xi1>, vector<512x4096xf32>
    %reduce_min3A_144 = arith.constant dense<0x7F800000> : vector<512xf32>
    %reduce_min3A_145 = vector.multi_reduction <minimumf>, %select_n3A_143, %reduce_min3A_144 [1] : vector<512x4096xf32> to vector<512xf32>
    %broadcast_in_dim3A_146 = vector.shape_cast %reduce_min3A_145 : vector<512xf32> to vector<512x1xf32>
    %eq3A_147 = vector.broadcast %broadcast_in_dim3A_146 : vector<512x1xf32> to vector<512x4096xf32>
    %eq3A_148 = arith.cmpf oeq, %select_n3A_143, %eq3A_147 : vector<512x4096xf32>
    %jit3A_149 = arith.constant 0x7F800000 : f32
    %broadcast_in_dim3A_150 = vector.broadcast %jit3A_149 : f32 to vector<512x4096xf32>
    %select_n3A_151 = arith.select %eq3A_148, %broadcast_in_dim3A_150, %select_n3A_135 : vector<512x4096xi1>, vector<512x4096xf32>
    %reduce_min3A_152 = arith.constant dense<0x7F800000> : vector<512xf32>
    %reduce_min3A_153 = vector.multi_reduction <minimumf>, %select_n3A_151, %reduce_min3A_152 [1] : vector<512x4096xf32> to vector<512xf32>
    %broadcast_in_dim3A_154 = vector.shape_cast %reduce_min3A_153 : vector<512xf32> to vector<512x1xf32>
    %eq3A_155 = vector.broadcast %broadcast_in_dim3A_154 : vector<512x1xf32> to vector<512x4096xf32>
    %eq3A_156 = arith.cmpf oeq, %select_n3A_151, %eq3A_155 : vector<512x4096xf32>
    %jit3A_157 = arith.constant 4.096000e+03 : f32
    %broadcast_in_dim3A_158 = vector.broadcast %jit3A_157 : f32 to vector<512x4096xf32>
    %select_n3A_159 = arith.select %eq3A_156, %convert_element_type3A_43, %broadcast_in_dim3A_158 : vector<512x4096xi1>, vector<512x4096xf32>
    %reduce_min3A_160 = arith.constant dense<0x7F800000> : vector<512xf32>
    %reduce_min3A_161 = vector.multi_reduction <minimumf>, %select_n3A_159, %reduce_min3A_160 [1] : vector<512x4096xf32> to vector<512xf32>
    %broadcast_in_dim3A_162 = vector.shape_cast %reduce_min3A_161 : vector<512xf32> to vector<512x1xf32>
    %eq3A_163 = vector.broadcast %broadcast_in_dim3A_162 : vector<512x1xf32> to vector<512x4096xf32>
    %eq3A_164 = arith.cmpf oeq, %select_n3A_159, %eq3A_163 : vector<512x4096xf32>
    %jit3A_165 = arith.constant 0x7F800000 : f32
    %broadcast_in_dim3A_166 = vector.broadcast %jit3A_165 : f32 to vector<512x4096xf32>
    %select_n3A_167 = arith.select %eq3A_164, %broadcast_in_dim3A_166, %select_n3A_151 : vector<512x4096xi1>, vector<512x4096xf32>
    %reduce_min3A_168 = arith.constant dense<0x7F800000> : vector<512xf32>
    %reduce_min3A_169 = vector.multi_reduction <minimumf>, %select_n3A_167, %reduce_min3A_168 [1] : vector<512x4096xf32> to vector<512xf32>
    %broadcast_in_dim3A_170 = vector.shape_cast %reduce_min3A_169 : vector<512xf32> to vector<512x1xf32>
    %eq3A_171 = vector.broadcast %broadcast_in_dim3A_170 : vector<512x1xf32> to vector<512x4096xf32>
    %eq3A_172 = arith.cmpf oeq, %select_n3A_167, %eq3A_171 : vector<512x4096xf32>
    %jit3A_173 = arith.constant 4.096000e+03 : f32
    %broadcast_in_dim3A_174 = vector.broadcast %jit3A_173 : f32 to vector<512x4096xf32>
    %select_n3A_175 = arith.select %eq3A_172, %convert_element_type3A_43, %broadcast_in_dim3A_174 : vector<512x4096xi1>, vector<512x4096xf32>
    %reduce_min3A_176 = arith.constant dense<0x7F800000> : vector<512xf32>
    %reduce_min3A_177 = vector.multi_reduction <minimumf>, %select_n3A_175, %reduce_min3A_176 [1] : vector<512x4096xf32> to vector<512xf32>
    %broadcast_in_dim3A_178 = vector.shape_cast %reduce_min3A_177 : vector<512xf32> to vector<512x1xf32>
    %eq3A_179 = vector.broadcast %broadcast_in_dim3A_178 : vector<512x1xf32> to vector<512x4096xf32>
    %eq3A_180 = arith.cmpf oeq, %select_n3A_175, %eq3A_179 : vector<512x4096xf32>
    %jit3A_181 = arith.constant 0x7F800000 : f32
    %broadcast_in_dim3A_182 = vector.broadcast %jit3A_181 : f32 to vector<512x4096xf32>
    %select_n3A_183 = arith.select %eq3A_180, %broadcast_in_dim3A_182, %select_n3A_167 : vector<512x4096xi1>, vector<512x4096xf32>
    %reduce_min3A_184 = arith.constant dense<0x7F800000> : vector<512xf32>
    %reduce_min3A_185 = vector.multi_reduction <minimumf>, %select_n3A_183, %reduce_min3A_184 [1] : vector<512x4096xf32> to vector<512xf32>
    %broadcast_in_dim3A_186 = vector.shape_cast %reduce_min3A_185 : vector<512xf32> to vector<512x1xf32>
    %eq3A_187 = vector.broadcast %broadcast_in_dim3A_186 : vector<512x1xf32> to vector<512x4096xf32>
    %eq3A_188 = arith.cmpf oeq, %select_n3A_183, %eq3A_187 : vector<512x4096xf32>
    %jit3A_189 = arith.constant 4.096000e+03 : f32
    %broadcast_in_dim3A_190 = vector.broadcast %jit3A_189 : f32 to vector<512x4096xf32>
    %select_n3A_191 = arith.select %eq3A_188, %convert_element_type3A_43, %broadcast_in_dim3A_190 : vector<512x4096xi1>, vector<512x4096xf32>
    %reduce_min3A_192 = arith.constant dense<0x7F800000> : vector<512xf32>
    %reduce_min3A_193 = vector.multi_reduction <minimumf>, %select_n3A_191, %reduce_min3A_192 [1] : vector<512x4096xf32> to vector<512xf32>
    %broadcast_in_dim3A_194 = vector.shape_cast %reduce_min3A_193 : vector<512xf32> to vector<512x1xf32>
    %eq3A_195 = vector.broadcast %broadcast_in_dim3A_194 : vector<512x1xf32> to vector<512x4096xf32>
    %eq3A_196 = arith.cmpf oeq, %select_n3A_191, %eq3A_195 : vector<512x4096xf32>
    %jit3A_197 = arith.constant 0x7F800000 : f32
    %broadcast_in_dim3A_198 = vector.broadcast %jit3A_197 : f32 to vector<512x4096xf32>
    %select_n3A_199 = arith.select %eq3A_196, %broadcast_in_dim3A_198, %select_n3A_183 : vector<512x4096xi1>, vector<512x4096xf32>
    %reduce_min3A_200 = arith.constant dense<0x7F800000> : vector<512xf32>
    %reduce_min3A_201 = vector.multi_reduction <minimumf>, %select_n3A_199, %reduce_min3A_200 [1] : vector<512x4096xf32> to vector<512xf32>
    %broadcast_in_dim3A_202 = vector.shape_cast %reduce_min3A_201 : vector<512xf32> to vector<512x1xf32>
    %eq3A_203 = vector.broadcast %broadcast_in_dim3A_202 : vector<512x1xf32> to vector<512x4096xf32>
    %eq3A_204 = arith.cmpf oeq, %select_n3A_199, %eq3A_203 : vector<512x4096xf32>
    %jit3A_205 = arith.constant 4.096000e+03 : f32
    %broadcast_in_dim3A_206 = vector.broadcast %jit3A_205 : f32 to vector<512x4096xf32>
    %select_n3A_207 = arith.select %eq3A_204, %convert_element_type3A_43, %broadcast_in_dim3A_206 : vector<512x4096xi1>, vector<512x4096xf32>
    %reduce_min3A_208 = arith.constant dense<0x7F800000> : vector<512xf32>
    %reduce_min3A_209 = vector.multi_reduction <minimumf>, %select_n3A_207, %reduce_min3A_208 [1] : vector<512x4096xf32> to vector<512xf32>
    %broadcast_in_dim3A_210 = vector.shape_cast %reduce_min3A_209 : vector<512xf32> to vector<512x1xf32>
    %eq3A_211 = vector.broadcast %broadcast_in_dim3A_210 : vector<512x1xf32> to vector<512x4096xf32>
    %eq3A_212 = arith.cmpf oeq, %select_n3A_207, %eq3A_211 : vector<512x4096xf32>
    %jit3A_213 = arith.constant 0x7F800000 : f32
    %broadcast_in_dim3A_214 = vector.broadcast %jit3A_213 : f32 to vector<512x4096xf32>
    %select_n3A_215 = arith.select %eq3A_212, %broadcast_in_dim3A_214, %select_n3A_199 : vector<512x4096xi1>, vector<512x4096xf32>
    %reduce_min3A_216 = arith.constant dense<0x7F800000> : vector<512xf32>
    %reduce_min3A_217 = vector.multi_reduction <minimumf>, %select_n3A_215, %reduce_min3A_216 [1] : vector<512x4096xf32> to vector<512xf32>
    %broadcast_in_dim3A_218 = vector.shape_cast %reduce_min3A_217 : vector<512xf32> to vector<512x1xf32>
    %eq3A_219 = vector.broadcast %broadcast_in_dim3A_218 : vector<512x1xf32> to vector<512x4096xf32>
    %eq3A_220 = arith.cmpf oeq, %select_n3A_215, %eq3A_219 : vector<512x4096xf32>
    %jit3A_221 = arith.constant 4.096000e+03 : f32
    %broadcast_in_dim3A_222 = vector.broadcast %jit3A_221 : f32 to vector<512x4096xf32>
    %select_n3A_223 = arith.select %eq3A_220, %convert_element_type3A_43, %broadcast_in_dim3A_222 : vector<512x4096xi1>, vector<512x4096xf32>
    %reduce_min3A_224 = arith.constant dense<0x7F800000> : vector<512xf32>
    %reduce_min3A_225 = vector.multi_reduction <minimumf>, %select_n3A_223, %reduce_min3A_224 [1] : vector<512x4096xf32> to vector<512xf32>
    %broadcast_in_dim3A_226 = vector.shape_cast %reduce_min3A_225 : vector<512xf32> to vector<512x1xf32>
    %eq3A_227 = vector.broadcast %broadcast_in_dim3A_226 : vector<512x1xf32> to vector<512x4096xf32>
    %eq3A_228 = arith.cmpf oeq, %select_n3A_223, %eq3A_227 : vector<512x4096xf32>
    %jit3A_229 = arith.constant 0x7F800000 : f32
    %broadcast_in_dim3A_230 = vector.broadcast %jit3A_229 : f32 to vector<512x4096xf32>
    %select_n3A_231 = arith.select %eq3A_228, %broadcast_in_dim3A_230, %select_n3A_215 : vector<512x4096xi1>, vector<512x4096xf32>
    %reduce_min3A_232 = arith.constant dense<0x7F800000> : vector<512xf32>
    %reduce_min3A_233 = vector.multi_reduction <minimumf>, %select_n3A_231, %reduce_min3A_232 [1] : vector<512x4096xf32> to vector<512xf32>
    %broadcast_in_dim3A_234 = vector.shape_cast %reduce_min3A_233 : vector<512xf32> to vector<512x1xf32>
    %eq3A_235 = vector.broadcast %broadcast_in_dim3A_234 : vector<512x1xf32> to vector<512x4096xf32>
    %eq3A_236 = arith.cmpf oeq, %select_n3A_231, %eq3A_235 : vector<512x4096xf32>
    %jit3A_237 = arith.constant 4.096000e+03 : f32
    %broadcast_in_dim3A_238 = vector.broadcast %jit3A_237 : f32 to vector<512x4096xf32>
    %select_n3A_239 = arith.select %eq3A_236, %convert_element_type3A_43, %broadcast_in_dim3A_238 : vector<512x4096xi1>, vector<512x4096xf32>
    %reduce_min3A_240 = arith.constant dense<0x7F800000> : vector<512xf32>
    %reduce_min3A_241 = vector.multi_reduction <minimumf>, %select_n3A_239, %reduce_min3A_240 [1] : vector<512x4096xf32> to vector<512xf32>
    %broadcast_in_dim3A_242 = vector.shape_cast %reduce_min3A_241 : vector<512xf32> to vector<512x1xf32>
    %eq3A_243 = vector.broadcast %broadcast_in_dim3A_242 : vector<512x1xf32> to vector<512x4096xf32>
    %eq3A_244 = arith.cmpf oeq, %select_n3A_239, %eq3A_243 : vector<512x4096xf32>
    %jit3A_245 = arith.constant 0x7F800000 : f32
    %broadcast_in_dim3A_246 = vector.broadcast %jit3A_245 : f32 to vector<512x4096xf32>
    %select_n3A_247 = arith.select %eq3A_244, %broadcast_in_dim3A_246, %select_n3A_231 : vector<512x4096xi1>, vector<512x4096xf32>
    %reduce_min3A_248 = arith.constant dense<0x7F800000> : vector<512xf32>
    %reduce_min3A_249 = vector.multi_reduction <minimumf>, %select_n3A_247, %reduce_min3A_248 [1] : vector<512x4096xf32> to vector<512xf32>
    %broadcast_in_dim3A_250 = vector.shape_cast %reduce_min3A_249 : vector<512xf32> to vector<512x1xf32>
    %eq3A_251 = vector.broadcast %broadcast_in_dim3A_250 : vector<512x1xf32> to vector<512x4096xf32>
    %eq3A_252 = arith.cmpf oeq, %select_n3A_247, %eq3A_251 : vector<512x4096xf32>
    %jit3A_253 = arith.constant 4.096000e+03 : f32
    %broadcast_in_dim3A_254 = vector.broadcast %jit3A_253 : f32 to vector<512x4096xf32>
    %select_n3A_255 = arith.select %eq3A_252, %convert_element_type3A_43, %broadcast_in_dim3A_254 : vector<512x4096xi1>, vector<512x4096xf32>
    %reduce_min3A_256 = arith.constant dense<0x7F800000> : vector<512xf32>
    %reduce_min3A_257 = vector.multi_reduction <minimumf>, %select_n3A_255, %reduce_min3A_256 [1] : vector<512x4096xf32> to vector<512xf32>
    %broadcast_in_dim3A_258 = vector.shape_cast %reduce_min3A_257 : vector<512xf32> to vector<512x1xf32>
    %eq3A_259 = vector.broadcast %broadcast_in_dim3A_258 : vector<512x1xf32> to vector<512x4096xf32>
    %eq3A_260 = arith.cmpf oeq, %select_n3A_255, %eq3A_259 : vector<512x4096xf32>
    %jit3A_261 = arith.constant 0x7F800000 : f32
    %broadcast_in_dim3A_262 = vector.broadcast %jit3A_261 : f32 to vector<512x4096xf32>
    %select_n3A_263 = arith.select %eq3A_260, %broadcast_in_dim3A_262, %select_n3A_247 : vector<512x4096xi1>, vector<512x4096xf32>
    %reduce_min3A_264 = arith.constant dense<0x7F800000> : vector<512xf32>
    %reduce_min3A_265 = vector.multi_reduction <minimumf>, %select_n3A_263, %reduce_min3A_264 [1] : vector<512x4096xf32> to vector<512xf32>
    %broadcast_in_dim3A_266 = vector.shape_cast %reduce_min3A_265 : vector<512xf32> to vector<512x1xf32>
    %eq3A_267 = vector.broadcast %broadcast_in_dim3A_266 : vector<512x1xf32> to vector<512x4096xf32>
    %eq3A_268 = arith.cmpf oeq, %select_n3A_263, %eq3A_267 : vector<512x4096xf32>
    %jit3A_269 = arith.constant 4.096000e+03 : f32
    %broadcast_in_dim3A_270 = vector.broadcast %jit3A_269 : f32 to vector<512x4096xf32>
    %select_n3A_271 = arith.select %eq3A_268, %convert_element_type3A_43, %broadcast_in_dim3A_270 : vector<512x4096xi1>, vector<512x4096xf32>
    %reduce_min3A_272 = arith.constant dense<0x7F800000> : vector<512xf32>
    %reduce_min3A_273 = vector.multi_reduction <minimumf>, %select_n3A_271, %reduce_min3A_272 [1] : vector<512x4096xf32> to vector<512xf32>
    %broadcast_in_dim3A_274 = vector.shape_cast %reduce_min3A_273 : vector<512xf32> to vector<512x1xf32>
    %eq3A_275 = vector.broadcast %broadcast_in_dim3A_274 : vector<512x1xf32> to vector<512x4096xf32>
    %eq3A_276 = arith.cmpf oeq, %select_n3A_271, %eq3A_275 : vector<512x4096xf32>
    %jit3A_277 = arith.constant 0x7F800000 : f32
    %broadcast_in_dim3A_278 = vector.broadcast %jit3A_277 : f32 to vector<512x4096xf32>
    %select_n3A_279 = arith.select %eq3A_276, %broadcast_in_dim3A_278, %select_n3A_263 : vector<512x4096xi1>, vector<512x4096xf32>
    %reduce_min3A_280 = arith.constant dense<0x7F800000> : vector<512xf32>
    %reduce_min3A_281 = vector.multi_reduction <minimumf>, %select_n3A_279, %reduce_min3A_280 [1] : vector<512x4096xf32> to vector<512xf32>
    %broadcast_in_dim3A_282 = vector.shape_cast %reduce_min3A_281 : vector<512xf32> to vector<512x1xf32>
    %eq3A_283 = vector.broadcast %broadcast_in_dim3A_282 : vector<512x1xf32> to vector<512x4096xf32>
    %eq3A_284 = arith.cmpf oeq, %select_n3A_279, %eq3A_283 : vector<512x4096xf32>
    %jit3A_285 = arith.constant 4.096000e+03 : f32
    %broadcast_in_dim3A_286 = vector.broadcast %jit3A_285 : f32 to vector<512x4096xf32>
    %select_n3A_287 = arith.select %eq3A_284, %convert_element_type3A_43, %broadcast_in_dim3A_286 : vector<512x4096xi1>, vector<512x4096xf32>
    %reduce_min3A_288 = arith.constant dense<0x7F800000> : vector<512xf32>
    %reduce_min3A_289 = vector.multi_reduction <minimumf>, %select_n3A_287, %reduce_min3A_288 [1] : vector<512x4096xf32> to vector<512xf32>
    %broadcast_in_dim3A_290 = vector.shape_cast %reduce_min3A_289 : vector<512xf32> to vector<512x1xf32>
    %concatenate3A_291 = tpu.concatenate %broadcast_in_dim3A_50, %broadcast_in_dim3A_66, %broadcast_in_dim3A_82, %broadcast_in_dim3A_98, %broadcast_in_dim3A_114, %broadcast_in_dim3A_130, %broadcast_in_dim3A_146, %broadcast_in_dim3A_162, %broadcast_in_dim3A_178, %broadcast_in_dim3A_194, %broadcast_in_dim3A_210, %broadcast_in_dim3A_226, %broadcast_in_dim3A_242, %broadcast_in_dim3A_258, %broadcast_in_dim3A_274, %broadcast_in_dim3A_290 in 1 : vector<512x1xf32>, vector<512x1xf32>, vector<512x1xf32>, vector<512x1xf32>, vector<512x1xf32>, vector<512x1xf32>, vector<512x1xf32>, vector<512x1xf32>, vector<512x1xf32>, vector<512x1xf32>, vector<512x1xf32>, vector<512x1xf32>, vector<512x1xf32>, vector<512x1xf32>, vector<512x1xf32>, vector<512x1xf32> -> vector<512x16xf32>
    %convert_element_type3A_292 = arith.fptosi %concatenate3A_291 : vector<512x16xf32> to vector<512x16xi32>
    %mul3A_293 = arith.constant 4096 : i32
    %mul3A_294 = arith.muli %arg0, %mul3A_293 : i32
    %add3A_295 = vector.broadcast %mul3A_294 : i32 to vector<512x16xi32>
    %add3A_296 = arith.addi %convert_element_type3A_292, %add3A_295 : vector<512x16xi32>
    %swap3A = arith.constant 0 : index
    %swap3A_297 = arith.constant 0 : index
    %swap3A_298 = arith.constant 0 : index
    %swap3A_299 = vector.load %arg7[%swap3A, %swap3A_297, %swap3A_298] : memref<1x512x16xi32, #tpu.memory_space<vmem>>, vector<1x512x16xi32>
    %swap3A_300 = vector.shape_cast %swap3A_299 : vector<1x512x16xi32> to vector<512x16xi32>
    %swap3A_301 = vector.shape_cast %add3A_296 : vector<512x16xi32> to vector<1x512x16xi32>
    tpu.vector_store %arg7[%swap3A, %swap3A_297, %swap3A_298], %swap3A_301 {strides = array<i32>} : memref<1x512x16xi32, #tpu.memory_space<vmem>>, vector<1x512x16xi32>,
    return
  }
  func.func @transform_0(%arg0: i32, %arg1: i32) -> (i32, i32, i32) {
    %c0_i32 = arith.constant 0 : i32
    %c0_i32_0 = arith.constant 0 : i32
    return %arg0, %arg1, %c0_i32 : i32, i32, i32
  }
  func.func @transform_1(%arg0: i32, %arg1: i32) -> (i32, i32, i32) {
    %c0_i32 = arith.constant 0 : i32
    %c0_i32_0 = arith.constant 0 : i32
    %c0_i32_1 = arith.constant 0 : i32
    return %arg0, %c0_i32, %c0_i32_0 : i32, i32, i32
  }
  func.func @transform_2(%arg0: i32, %arg1: i32) -> (i32, i32, i32) {
    %c0_i32 = arith.constant 0 : i32
    %c0_i32_0 = arith.constant 0 : i32
    return %arg0, %arg1, %c0_i32 : i32, i32, i32
  }
  func.func @transform_3(%arg0: i32, %arg1: i32) -> (i32, i32, i32) {
    %c0_i32 = arith.constant 0 : i32
    %c0_i32_0 = arith.constant 0 : i32
    %c0_i32_1 = arith.constant 0 : i32
    return %arg0, %c0_i32, %c0_i32_0 : i32, i32, i32
  }
  func.func @transform_4(%arg0: i32, %arg1: i32) -> (i32, i32, i32) {
    %c0_i32 = arith.constant 0 : i32
    %c0_i32_0 = arith.constant 0 : i32
    %c0_i32_1 = arith.constant 0 : i32
    return %arg0, %c0_i32, %c0_i32_0 : i32, i32, i32
  }
  func.func @transform_5(%arg0: i32, %arg1: i32) -> (i32, i32, i32) {
    %c0_i32 = arith.constant 0 : i32
    %c0_i32_0 = arith.constant 0 : i32
    return %arg0, %arg1, %c0_i32 : i32, i32, i32
  }
}

module attributes {stable_mosaic.version = 14 : i64} {
  func.func @_stage3_body(%arg0: i32, %arg1: i32, %arg2: memref<1x4096x64xf32, #tpu.memory_space<vmem>>, %arg3: memref<1x256x64xf32, #tpu.memory_space<vmem>>, %arg4: memref<64x64xf32, #tpu.memory_space<vmem>>, %arg5: memref<1x64xf32, #tpu.memory_space<vmem>>, %arg6: memref<64x128xf32, #tpu.memory_space<vmem>>, %arg7: memref<1x128xf32, #tpu.memory_space<vmem>>, %arg8: memref<1x128x256xf32, #tpu.memory_space<vmem>>) attributes {dimension_semantics = [#tpu.dimension_semantics<arbitrary>, #tpu.dimension_semantics<arbitrary>], iteration_bounds = array<i64: 2, 16>, scalar_prefetch = 0 : i64, scratch_operands = 0 : i64, tpu.core_type = #tpu.core_type<tc>, window_params = [{transform_indices = @transform_0, window_bounds = array<i64: 1, 4096, 64>}, {transform_indices = @transform_1, window_bounds = array<i64: 1, 256, 64>}, {pipeline_mode = #tpu.pipeline_mode<synchronous>, transform_indices = @transform_2, window_bounds = array<i64: 64, 64>}, {pipeline_mode = #tpu.pipeline_mode<synchronous>, transform_indices = @transform_3, window_bounds = array<i64: 1, 64>}, {pipeline_mode = #tpu.pipeline_mode<synchronous>, transform_indices = @transform_4, window_bounds = array<i64: 64, 128>}, {pipeline_mode = #tpu.pipeline_mode<synchronous>, transform_indices = @transform_5, window_bounds = array<i64: 1, 128>}, {transform_indices = @transform_6, window_bounds = array<i64: 1, 128, 256>}]} {
    %get3A = arith.constant 0 : index
    %get3A_0 = arith.constant 0 : index
    %get3A_1 = arith.constant 0 : index
    %get3A_2 = vector.load %arg2[%get3A, %get3A_0, %get3A_1] : memref<1x4096x64xf32, #tpu.memory_space<vmem>>, vector<1x4096x64xf32>
    %get3A_3 = vector.shape_cast %get3A_2 : vector<1x4096x64xf32> to vector<4096x64xf32>
    %get3A_4 = arith.constant 0 : index
    %get3A_5 = arith.constant 0 : index
    %get3A_6 = arith.constant 0 : index
    %get3A_7 = vector.load %arg3[%get3A_4, %get3A_5, %get3A_6] : memref<1x256x64xf32, #tpu.memory_space<vmem>>, vector<1x256x64xf32>
    %get3A_8 = vector.shape_cast %get3A_7 : vector<1x256x64xf32> to vector<256x64xf32>
    %reshape3A = vector.shape_cast %get3A_3 : vector<4096x64xf32> to vector<256x16x64xf32>
    %broadcast_in_dim3A = vector.shape_cast %get3A_8 : vector<256x64xf32> to vector<256x1x64xf32>
    %add3A = vector.broadcast %broadcast_in_dim3A : vector<256x1x64xf32> to vector<256x16x64xf32>
    %add3A_9 = arith.addf %reshape3A, %add3A : vector<256x16x64xf32>
    %ge3A = arith.constant 0.000000e+00 : f32
    %ge3A_10 = vector.broadcast %ge3A : f32 to vector<256x16x64xf32>
    %ge3A_11 = arith.cmpf oge, %add3A_9, %ge3A_10 : vector<256x16x64xf32>
    %mul3A = arith.constant 1.000000e-01 : f32
    %mul3A_12 = vector.broadcast %mul3A : f32 to vector<256x16x64xf32>
    %mul3A_13 = arith.mulf %mul3A_12, %add3A_9 : vector<256x16x64xf32>
    %select_n3A = arith.select %ge3A_11, %add3A_9, %mul3A_13 : vector<256x16x64xi1>, vector<256x16x64xf32>
    %reshape3A_14 = vector.shape_cast %select_n3A : vector<256x16x64xf32> to vector<4096x64xf32>
    %get3A_15 = arith.constant 0 : index
    %get3A_16 = arith.constant 0 : index
    %get3A_17 = vector.load %arg4[%get3A_15, %get3A_16] : memref<64x64xf32, #tpu.memory_space<vmem>>, vector<64x64xf32>
    %convert_element_type3A = arith.truncf %reshape3A_14 : vector<4096x64xf32> to vector<4096x64xbf16>
    %convert_element_type3A_18 = arith.truncf %get3A_17 : vector<64x64xf32> to vector<64x64xbf16>
    %dot_general3A = arith.constant dense<0.000000e+00> : vector<4096x64xf32>
    %dot_general3A_19 = tpu.matmul %convert_element_type3A, %convert_element_type3A_18, %dot_general3A {dimension_numbers = #tpu.dot_dimension_numbers<[1], [0], [0], [1], [0, 0, 1, 1], [], []>, transpose_lhs_hint = false} : vector<4096x64xbf16>, vector<64x64xbf16>, vector<4096x64xf32> -> vector<4096x64xf32>
    %get3A_20 = arith.constant 0 : index
    %get3A_21 = arith.constant 0 : index
    %get3A_22 = vector.load %arg5[%get3A_20, %get3A_21] : memref<1x64xf32, #tpu.memory_space<vmem>>, vector<1x64xf32>
    %add3A_23 = vector.broadcast %get3A_22 : vector<1x64xf32> to vector<4096x64xf32>
    %add3A_24 = arith.addf %dot_general3A_19, %add3A_23 : vector<4096x64xf32>
    %ge3A_25 = arith.constant 0.000000e+00 : f32
    %ge3A_26 = vector.broadcast %ge3A_25 : f32 to vector<4096x64xf32>
    %ge3A_27 = arith.cmpf oge, %add3A_24, %ge3A_26 : vector<4096x64xf32>
    %mul3A_28 = arith.constant 1.000000e-01 : f32
    %mul3A_29 = vector.broadcast %mul3A_28 : f32 to vector<4096x64xf32>
    %mul3A_30 = arith.mulf %mul3A_29, %add3A_24 : vector<4096x64xf32>
    %select_n3A_31 = arith.select %ge3A_27, %add3A_24, %mul3A_30 : vector<4096x64xi1>, vector<4096x64xf32>
    %get3A_32 = arith.constant 0 : index
    %get3A_33 = arith.constant 0 : index
    %get3A_34 = vector.load %arg6[%get3A_32, %get3A_33] : memref<64x128xf32, #tpu.memory_space<vmem>>, vector<64x128xf32>
    %convert_element_type3A_35 = arith.truncf %select_n3A_31 : vector<4096x64xf32> to vector<4096x64xbf16>
    %convert_element_type3A_36 = arith.truncf %get3A_34 : vector<64x128xf32> to vector<64x128xbf16>
    %dot_general3A_37 = arith.constant dense<0.000000e+00> : vector<4096x128xf32>
    %dot_general3A_38 = tpu.matmul %convert_element_type3A_35, %convert_element_type3A_36, %dot_general3A_37 {dimension_numbers = #tpu.dot_dimension_numbers<[1], [0], [0], [1], [0, 0, 1, 1], [], []>, transpose_lhs_hint = false} : vector<4096x64xbf16>, vector<64x128xbf16>, vector<4096x128xf32> -> vector<4096x128xf32>
    %get3A_39 = arith.constant 0 : index
    %get3A_40 = arith.constant 0 : index
    %get3A_41 = vector.load %arg7[%get3A_39, %get3A_40] : memref<1x128xf32, #tpu.memory_space<vmem>>, vector<1x128xf32>
    %add3A_42 = vector.broadcast %get3A_41 : vector<1x128xf32> to vector<4096x128xf32>
    %add3A_43 = arith.addf %dot_general3A_38, %add3A_42 : vector<4096x128xf32>
    %ge3A_44 = arith.constant 0.000000e+00 : f32
    %ge3A_45 = vector.broadcast %ge3A_44 : f32 to vector<4096x128xf32>
    %ge3A_46 = arith.cmpf oge, %add3A_43, %ge3A_45 : vector<4096x128xf32>
    %mul3A_47 = arith.constant 1.000000e-01 : f32
    %mul3A_48 = vector.broadcast %mul3A_47 : f32 to vector<4096x128xf32>
    %mul3A_49 = arith.mulf %mul3A_48, %add3A_43 : vector<4096x128xf32>
    %select_n3A_50 = arith.select %ge3A_46, %add3A_43, %mul3A_49 : vector<4096x128xi1>, vector<4096x128xf32>
    %reshape3A_51 = vector.shape_cast %select_n3A_50 : vector<4096x128xf32> to vector<256x16x128xf32>
    %reduce_max3A = arith.constant dense<0xFF800000> : vector<256x128xf32>
    %reduce_max3A_52 = vector.multi_reduction <maximumf>, %reshape3A_51, %reduce_max3A [1] : vector<256x16x128xf32> to vector<256x128xf32>
    %transpose3A = tpu.transpose %reduce_max3A_52, [1, 0] : vector<256x128xf32> -> vector<128x256xf32>
    %swap3A = arith.constant 0 : index
    %swap3A_53 = arith.constant 0 : index
    %swap3A_54 = arith.constant 0 : index
    %swap3A_55 = vector.load %arg8[%swap3A, %swap3A_53, %swap3A_54] : memref<1x128x256xf32, #tpu.memory_space<vmem>>, vector<1x128x256xf32>
    %swap3A_56 = vector.shape_cast %swap3A_55 : vector<1x128x256xf32> to vector<128x256xf32>
    %swap3A_57 = vector.shape_cast %transpose3A : vector<128x256xf32> to vector<1x128x256xf32>
    tpu.vector_store %arg8[%swap3A, %swap3A_53, %swap3A_54], %swap3A_57 {strides = array<i32>} : memref<1x128x256xf32, #tpu.memory_space<vmem>>, vector<1x128x256xf32>,
    return
  }
  func.func @transform_0(%arg0: i32, %arg1: i32) -> (i32, i32, i32) {
    %c0_i32 = arith.constant 0 : i32
    %c0_i32_0 = arith.constant 0 : i32
    return %arg0, %arg1, %c0_i32 : i32, i32, i32
  }
  func.func @transform_1(%arg0: i32, %arg1: i32) -> (i32, i32, i32) {
    %c0_i32 = arith.constant 0 : i32
    %c0_i32_0 = arith.constant 0 : i32
    return %arg0, %arg1, %c0_i32 : i32, i32, i32
  }
  func.func @transform_2(%arg0: i32, %arg1: i32) -> (i32, i32) {
    %c0_i32 = arith.constant 0 : i32
    %c0_i32_0 = arith.constant 0 : i32
    %c0_i32_1 = arith.constant 0 : i32
    return %c0_i32, %c0_i32_0 : i32, i32
  }
  func.func @transform_3(%arg0: i32, %arg1: i32) -> (i32, i32) {
    %c0_i32 = arith.constant 0 : i32
    %c0_i32_0 = arith.constant 0 : i32
    %c0_i32_1 = arith.constant 0 : i32
    return %c0_i32, %c0_i32_0 : i32, i32
  }
  func.func @transform_4(%arg0: i32, %arg1: i32) -> (i32, i32) {
    %c0_i32 = arith.constant 0 : i32
    %c0_i32_0 = arith.constant 0 : i32
    %c0_i32_1 = arith.constant 0 : i32
    return %c0_i32, %c0_i32_0 : i32, i32
  }
  func.func @transform_5(%arg0: i32, %arg1: i32) -> (i32, i32) {
    %c0_i32 = arith.constant 0 : i32
    %c0_i32_0 = arith.constant 0 : i32
    %c0_i32_1 = arith.constant 0 : i32
    return %c0_i32, %c0_i32_0 : i32, i32
  }
  func.func @transform_6(%arg0: i32, %arg1: i32) -> (i32, i32, i32) {
    %c0_i32 = arith.constant 0 : i32
    %c0_i32_0 = arith.constant 0 : i32
    return %arg0, %c0_i32, %arg1 : i32, i32, i32
  }
}

</mosaic_0001>

<sc_bundles>
// kernel: kernel.12.cloned.1.call-start
scs
__scs_entry_jumppad:
0x0: {  	(pc) =	sbr.rel $0x88, $3  }
0x1: {  	(tag) =	ssettag $0x0;
	lr =	simm.s32 $0x1  }
0x2: {  	[smem:$0x3F91] =	sst lr;
	_ =	strace $0xD0000000  }
0x3: {  	_ = 	snop  }
0x4: {  	_ = 	snop  }
0x5: {  	_ = 	snop  }
0x6: {  	_ = 	snop  }
0x7: {  	_ = 	snop  }
__scs_overlays_trampoline_lowered:
0x8: {  	[smem:$0x3FA0] =	sst s0  }
0x9: {  	[smem:$0x3FA1] =	sst s1  }
0xa: {  	[smem:$0x3FA2] =	sst s2  }
0xb: {  	[smem:$0x3FA3] =	sst s3  }
0xc: {  	[smem:$0x3FA4] =	sst s4  }
0xd: {  	[smem:$0x3FA5] =	sst s5  }
0xe: {  	[smem:$0x3FA6] =	sst s6  }
0xf: {  	[smem:$0x3FA7] =	sst s7  }
0x10: {  	[smem:$0x3FA8] =	sst s8  }
0x11: {  	[smem:$0x3FA9] =	sst s9;
	s0 =	simm.s32 @!p0 $0x0  }
0x12: {  	s1 =	sld [smem:$0x3F8F];
	s0 =	simm.s32 @p0 $0x1  }
0x13: {  	[smem:$0x3FAA] =	sst s0;
	s0 =	simm.s32 @!p1 $0x0  }
0x14: {  	s2 =	sld [smem:$0x3F8E];
	s0 =	simm.s32 @p1 $0x1  }
0x15: {  	[smem:$0x3FAB] =	sst s0;
	s0 =	simm.s32 @!p2 $0x0  }
0x16: {  	s3 =	sld [smem:$0x3FDB];
	s0 =	simm.s32 @p2 $0x1  }
0x17: {  	s4 =	simm.s32 $0x1BF5;
	[smem:$0x3FAD] =	sst s0  }
0x18: {  	s0 =	sld [smem:$0x3F90];
	_ =	swait.ge [sflag:s4], $0x0  }
0x19: {  	s7 =	sld [smem:$0x3F91]  }
0x1a: {  	s8 =	sadd.s32 $0xFFFFE003, lr  }
0x1b: {  	s9 =	sadd.s32 $0xFFFFFEF7, lr;
	s5 =	simm.s32 $0xFFFFFFFF;
	p2 =	slt.u32 s8, $0xFFFFF086  }
0x1c: {  	p1 =	slt.u32 s9, $0xF7A;
	s5 =	simm.s32 @!p2 $0x0  }
0x1d: {  	s5 =	simm.s32 @p1 $0x1;
	p0 =	seq.s32 s7, s2  }
0x1e: {  	s7 =	smul.u32 @!p0 $0xF7A, s2;
	p2 =	seq.s32 @!p0 s5, $0x0  }
0x1f: {  	s9 =	smul.u32 $0xF7A, s1;
	s8 =	simm.s32 @!p0 $0x1BF5;
	p2 =	por !p2, p0  }
0x20: {  	[sflag:s8] =	ssyncset.s32 @!p0 $0xFFFFF086;
	s6 =	sadd.s32 @!p0 s3, s7;
	s7 =	simm.s32 @!p0 $0x108  }
0x21: {  	s3 =	sadd.s32 s3, s9;
	s6 =	sadd.s32 @!p0 $0x88, s6;
	s7 =	simm.s32 @p2 $0x1082  }
0x22: {  	[simem:s7], [sflag:s8] =	dma.local @!p0 [hbm:s6], $0xF7A  }
0x23: {  	s9 =	sor.u32 $0xD0000000, s2;
	s6 =	simm.s32 $0x108;
	_ =	swait.ge @!p0 [sflag:s8], $0x0  }
0x24: {  	s3 =	sadd.s32 $0x88, s3;
	s6 =	simm.s32 @!p1 $0x1082;
	[sflag:s4] =	ssyncset.s32 $0xFFFFF086  }
0x25: {  	[simem:s6], [sflag:s4] =	dma.local [hbm:s3], $0xF7A  }
0x26: {  	[smem:$0x3F91] =	sst s1;
	(tag) =	ssettag s2;
	_ =	strace s9  }
0x27: {  	s1 =	sld [smem:$0x3FA1]  }
0x28: {  	s2 =	sld [smem:$0x3FA2]  }
0x29: {  	s4 =	sld [smem:$0x3FA4]  }
0x2a: {  	p0 =	seq.s32 s5, $0x0;
	s5 =	sld [smem:$0x3FA5]  }
0x2b: {  	s6 =	sld [smem:$0x3FA6]  }
0x2c: {  	s7 =	sld [smem:$0x3FA7]  }
0x2d: {  	s3 =	simm.s32 $0x108;
	s8 =	sld [smem:$0x3FA8]  }
0x2e: {  	s3 =	simm.s32 @!p0 $0x1082;
	s9 =	sld [smem:$0x3FA9]  }
0x2f: {  	lr =	sadd.s32 s0, s3;
	s0 =	sld [smem:$0x3FA0]  }
0x30: {  	s3 =	sld [smem:$0x3FA3]  }
0x31: {  	[smem:$0x3FAC] =	sst s10  }
0x32: {  	s10 =	sld [smem:$0x3FAA];
	_ =	sdelay $0x3  }
0x33: {  	p0 =	seq.s32 s10, $0x1;
	s10 =	sld [smem:$0x3FAC];
	_ =	sdelay $0x3  }
0x34: {  	[smem:$0x3FAC] =	sst s10  }
0x35: {  	s10 =	sld [smem:$0x3FAB];
	_ =	sdelay $0x3  }
0x36: {  	p1 =	seq.s32 s10, $0x1;
	s10 =	sld [smem:$0x3FAC];
	_ =	sdelay $0x3  }
0x37: {  	[smem:$0x3FAC] =	sst s10  }
0x38: {  	s10 =	sld [smem:$0x3FAD]  }
0x39: {  	_ = 	snop;
	(pc) =	sbr.ind lr, $3  }
0x3a: {  	_ = 	snop  }
0x3b: {  	_ = 	snop  }
0x3c: {  	p2 =	seq.s32 s10, $0x1;
	s10 =	sld [smem:$0x3FAC]  }
0x3d: {  	_ =	shalt  }
0x3e: {  	_ =	shalt  }
0x3f: {  	_ =	shalt  }
0x40: {  	_ =	shalt  }
0x41: {  	_ =	shalt  }
0x42: {  	_ =	shalt  }
0x43: {  	_ =	shalt  }
0x44: {  	_ =	shalt  }
0x45: {  	_ =	shalt  }
0x46: {  	_ =	shalt  }
0x47: {  	_ =	shalt  }
0x48: {  	_ =	shalt  }
0x49: {  	_ =	shalt  }
0x4a: {  	_ =	shalt  }
0x4b: {  	_ =	shalt  }
0x4c: {  	_ =	shalt  }
0x4d: {  	_ =	shalt  }
0x4e: {  	_ =	shalt  }
0x4f: {  	_ =	shalt  }
0x50: {  	_ =	shalt  }
0x51: {  	_ =	shalt  }
0x52: {  	_ =	shalt  }
0x53: {  	_ =	shalt  }
0x54: {  	_ =	shalt  }
0x55: {  	_ =	shalt  }
0x56: {  	_ =	shalt  }
0x57: {  	_ =	shalt  }
0x58: {  	_ =	shalt  }
0x59: {  	_ =	shalt  }
0x5a: {  	_ =	shalt  }
0x5b: {  	_ =	shalt  }
0x5c: {  	_ =	shalt  }
0x5d: {  	_ =	shalt  }
0x5e: {  	_ =	shalt  }
0x5f: {  	_ =	shalt  }
0x60: {  	_ =	shalt  }
0x61: {  	_ =	shalt  }
0x62: {  	_ =	shalt  }
0x63: {  	_ =	shalt  }
0x64: {  	_ =	shalt  }
0x65: {  	_ =	shalt  }
0x66: {  	_ =	shalt  }
0x67: {  	_ =	shalt  }
0x68: {  	_ =	shalt  }
0x69: {  	_ =	shalt  }
0x6a: {  	_ =	shalt  }
0x6b: {  	_ =	shalt  }
0x6c: {  	_ =	shalt  }
0x6d: {  	_ =	shalt  }
0x6e: {  	_ =	shalt  }
0x6f: {  	_ =	shalt  }
0x70: {  	_ =	shalt  }
0x71: {  	_ =	shalt  }
0x72: {  	_ =	shalt  }
0x73: {  	_ =	shalt  }
0x74: {  	_ =	shalt  }
0x75: {  	_ =	shalt  }
0x76: {  	_ =	shalt  }
0x77: {  	_ =	shalt  }
0x78: {  	_ =	shalt  }
0x79: {  	_ =	shalt  }
0x7a: {  	_ =	shalt  }
0x7b: {  	_ =	shalt  }
0x7c: {  	_ =	shalt  }
0x7d: {  	_ =	shalt  }
0x7e: {  	_ =	shalt  }
0x7f: {  	_ =	shalt  }
0x80: {  	_ =	shalt  }
0x81: {  	_ =	shalt  }
0x82: {  	_ =	shalt  }
0x83: {  	_ =	shalt  }
0x84: {  	_ =	shalt  }
0x85: {  	_ =	shalt  }
0x86: {  	_ =	shalt  }
0x87: {  	_ =	shalt  }
.Lfunc_end0:
.L_simem_size_0:
called_computation.1_lowered:
.L_overlay_start_0:
0x88: {  	s2 =	sld [smem:$0x3FD9]  }
0x89: {  	s3 =	sld [smem:$0x3FFE];
	_ =	sdelay $0x1  }
0x8a: {  	s1 =	srdreg.scid  }
0x8b: {  	s0 =	sand.u32 $0x1, s1  }
0x8c: {  	s16 =	sshll.u32 s0, $0xA;
	s2 =	sadd.s32 s3, s2  }
0x8d: {  	s2 =	sadd.s32 s2, s16  }
0x8e: {  	[smem:$0x3FB8] =	sst s2  }
0x8f: {  	_ = 	snop  }
0x90: {  	(tm) =	ssettm $0x1  }
0x91: {  	s17 =	sld [smem:$0x3FFB];
	_ =	sdelay $0x3  }
0x92: {  	_ =	strace s17  }
0x93: {  	s2 =	sld [smem:$0x3FFC];
	_ =	sdelay $0x3  }
0x94: {  	_ =	strace s2  }
0x95: {  	s2 =	sld [smem:$0x3FFD];
	_ =	sdelay $0x3  }
0x96: {  	_ =	strace s2  }
0x97: {  	_ =	strace $0x8FFFFFFF  }
0x98: {  	s18 =	sld [smem:$0x3FDB];
	_ =	sdelay $0x1  }
0x99: {  	s19 =	simm.s32 $_scs_section_size  }
0x9a: {  	s4 =	simm.s32 $_size__tile_overlayer_lowered;
	s5 =	simm.s32 $_tile_overlayer_lowered  }
0x9b: {  	s22 =	simm.s32 $0x1BFF;
	s21 =	sshll.u32 s5, $0x1;
	s2 =	sadd.s32 s19, s18  }
0x9c: {  	s6 =	simm.s32 $0x0;
	s20 =	sshll.u32 s4, $0x1;
	s4 =	sadd.s32 s21, s2  }
0x9d: {  	[timem:s6], [sflag:s22] =	dma.local [hbm:s4], s20  }
0x9e: {  	_ =	swait.ge [sflag:s22], s20  }
0x9f: {  	s3 =	ssub.s32 $0x0, s20;
	[sflag:s22] =	ssyncset.done $0x0  }
0xa0: {  	[sflag:s22] =	ssyncadd.s32 s3;
	_ =	sdelay $0x1  }
0xa1: {  	s23 =	simm.s32 $0x1B8B  }
0xa2: {  	_ =	swait.ge [sflag:s23], $0x1  }
0xa3: {  	[sflag:s23] =	ssyncset.done $0x0  }
0xa4: {  	s25 =	simm.s32 $0x1B8E;
	s24 =	sld [smem:$0x3FFE];
	[sflag:s23] =	ssyncadd.s32 $0xFFFFFFFF  }
0xa5: {  	s26 =	simm.s32 $execute0_lowered;
	[smem:$0x3FD2] =	sst s25  }
0xa6: {  	s4 =	sshll.u32 s26, $0x1;
	_ =	strace $0x80000046;
	[dreg:$0x1] =	wrdreg $0xFFFFFFFF  }
0xa7: {  	s28 =	simm.s32 $_size_execute0_lowered;
	s2 =	sadd.s32 s2, s4;
	[dreg:$0x0] =	wrdreg $0x0  }
0xa8: {  	s4 =	sshll.u32 s28, $0x1;
	[dreg:$0x2] =	wrdreg s2  }
0xa9: {  	[dreg:$0x3] =	wrdreg s4  }
0xaa: {  	[dreg:$0x4] =	wrdreg $0xC0  }
0xab: {  	_ =	task [dreg:s6], $0x5FFFF  }
0xac: {  	[dreg:$0x1] =	wrdreg $0xFFFFFFFF  }
0xad: {  	[dreg:$0x0] =	wrdreg $0x60  }
0xae: {  	[dreg:$0x2] =	wrdreg s24  }
0xaf: {  	[dreg:$0x3] =	wrdreg $0xA  }
0xb0: {  	_ =	task.clear_ibuf [dreg:s6], $0x4FFFF;
	_ =	strace $0x90000046  }
0xb1: {  	s29 =	simm.s32 $0xA;
	_ =	strace $0x80000048  }
0xb2: {  	_ =	swait.ge [sflag:s29], $0x1  }
0xb3: {  	[sflag:s29] =	ssyncadd.s32 $0xFFFFFFFF  }
0xb4: {  	_ =	strace $0x90000048  }
0xb5: {  	_ =	sfence  }
0xb6: {  	s30 =	sld [smem:$0x0];
	_ =	sdelay $0x2  }
0xb7: {  	s31 =	sshll.u32 s1, $0xD;
	s1 =	sshrl.u32 s1, $0x2  }
0xb8: {  	s3 =	sand.u32 $0x4000, s31;
	s1 =	sadd.s32 s1, s30  }
0xb9: {  	s0 =	sor.u32 s3, s0;
	s1 =	sshll.u32 s1, $0x11  }
0xba: {  	s0 =	sor.u32 s1, s0  }
0xbb: {  	s0 =	sadd.s32 $0x8F2B, s0  }
0xbc: {  	[sflag:s0] =	ssyncadd.remote.s32 $0x1  }
0xbd: {  	_ =	sfence.sel $0xFFFF  }
0xbe: {  	[dreg:$0x0] =	wrdreg $0xFFFFFFFF;
	(pc) =	sbr.abs _section_cstart, $3  }
0xbf: {  	[dreg:$0x1] =	wrdreg $0xFFFFFFFF  }
0xc0: {  	_ =	task.clear_ibuf [dreg:s6], $0x2FFFF;
	_ =	strace $0x9FFFFFFF  }
0xc1: {  	(tm) =	ssettm $0x7FFFFFFF  }
tec
execute0_lowered:
.L_overlay_start_1:
0x0: {  	(tag) =	ssettag $0x1  }
0x1: {  	s4 =	rddreg [dreg:$0x0]  }
0x2: {  	s0 =	rddreg [dreg:$0x1];
	s2 =	simm.s32 $0x0;
	s1 =	stileid.u32  }
0x3: {  	s3 =	srdreg.scid;
	s11 =	simm.s32 $0x2100;
	s12 =	simm.s32 $0x1  }
0x4: {  	s13 =	simm.s32 $0x2;
	s14 =	simm.s32 $0x0;
	[smem:$0x7FF] =	sst s2  }
0x5: {  	s7 =	sadd.s32 $0x84400, s4;
	s5 =	sshll.u32 s1, $0x10;
	s6 =	sand.u32 $0x1, s3  }
0x6: {  	s3 =	sadd.s32 $0x24400, s4;
	s9 =	sshll.u32 s1, $0xD;
	_ =	strace $0x80000047  }
0x7: {  	s5 =	sadd.s32 s5, s4;
	s29 =	ssub.s32 $0x2, s6;
	s10 =	sshll.u32 s6, $0xC  }
0x8: {  	s6 =	sshll.u32 s6, $0xF;
	s8 =	sshrl.u32 s29, $0x1;
	s30 =	sor.u32 s10, s9  }
0x9: {  	s5 =	sadd.s32 s6, s5;
	s9 =	simm.s32 $0x80;
	s10 =	simm.s32 $0x100  }
0xa: {  	s4 =	ssub.s32 s29, s8;
	s31 =	sor.u32 $0x80, s30;
	s5 =	sadd.s32 $0x88800, s5  }
0xb: {  	s8 =	sshrl.u32 s30, $0x3;
	s4 =	smax.u32 s4, $0x1;
	s6 =	sshrl.u32 s31, $0x3  }
0xc: {  	s6 =	sadd.s32 s6, s7;
	s7 =	sadd.s32 s8, s7;
	s8 =	simm.s32 $0x3  }
.LBB2_1:
0xd: {  	s15 =	sadd.s32 $0x0, s7  }
0xe: {  	[tilespmem:s2], [sflag:$0x3] =	stream.linear.gather [hbm4b:s15+s2], $0x80, $0x38;
	[tilespmem:$0x4100] =	vst v63  }
0xf: {  	_ =	swait.ge [sflag:s8], $0x80  }
0x10: {  	[sflag:s8] =	ssyncset.done $0x0  }
0x11: {  	[sflag:s8] =	ssyncadd.s32 $0xFFFFFF80  }
0x12: {  	[tilespmem:s10], [sflag:$0x1] =	stream.indirect.gather [hbm4b:s3+s9], $0x40, s2, s9, $0xb8;
	[tilespmem:$0x4100] =	vst v63  }
0x13: {  	s30 =	sadd.s32 $0x0, s6  }
0x14: {  	[tilespmem:s9], [sflag:$0x3] =	stream.linear.gather [hbm4b:s30+s2], $0x80, $0x38;
	[tilespmem:$0x4100] =	vst v63  }
0x15: {  	_ =	swait.ge [sflag:s8], $0x80  }
0x16: {  	[sflag:s8] =	ssyncset.done $0x0  }
0x17: {  	[sflag:s8] =	ssyncadd.s32 $0xFFFFFF80  }
0x18: {  	[tilespmem:s11], [sflag:$0x2] =	stream.indirect.gather [hbm4b:s3+s9], $0x40, s9, s9, $0xb8;
	[tilespmem:$0x4100] =	vst v63  }
0x19: {  	_ =	swait.ge [sflag:s12], $0x2000  }
0x1a: {  	[sflag:s12] =	ssyncset.done $0x0  }
0x1b: {  	s31 =	sadd.s32 $0xFFFFFC00, s5;
	[sflag:s12] =	ssyncadd.s32 $0xFFFFE000  }
0x1c: {  	[hbm4b:s31+s2] =	stream.linear.scatter [tilespmem:s10], [sflag:$0x3], $0x2000, $0x38;
	[tilespmem:$0x4100] =	vst v63  }
0x1d: {  	_ =	swait.ge [sflag:s8], $0x2000  }
0x1e: {  	[sflag:s8] =	ssyncset.done $0x0  }
0x1f: {  	[sflag:s8] =	ssyncadd.s32 $0xFFFFE000  }
0x20: {  	_ =	swait.ge [sflag:s13], $0x2000  }
0x21: {  	[sflag:s13] =	ssyncset.done $0x0  }
0x22: {  	[sflag:s13] =	ssyncadd.s32 $0xFFFFE000  }
0x23: {  	[hbm4b:s5+s2] =	stream.linear.scatter [tilespmem:s11], [sflag:$0x3], $0x2000, $0x38;
	[tilespmem:$0x4100] =	vst v63  }
0x24: {  	s16 =	simm.s32 $0x20;
	_ =	swait.ge [sflag:s8], $0x2000  }
0x25: {  	s17 =	simm.s32 $0x40;
	s15 =	sadd.s32 $0x800, s5;
	[sflag:s8] =	ssyncset.done $0x0  }
.LBB2_2:
0x26: {  	s18 =	sadd.s32 s16, s7  }
0x27: {  	[sflag:s8] =	ssyncadd.s32 $0xFFFFE000;
	s19 =	smov.u32 s17;
	s20 =	sadd.s32 $0x20, s17  }
0x28: {  	[tilespmem:s2], [sflag:$0x3] =	stream.linear.gather [hbm4b:s18+s2], $0x80, $0x38;
	[tilespmem:$0x4100] =	vst v63  }
0x29: {  	p0 =	sne.s32 s17, $0x1E0;
	_ =	swait.ge [sflag:s8], $0x80  }
0x2a: {  	[sflag:s8] =	ssyncset.done $0x0  }
0x2b: {  	[sflag:s8] =	ssyncadd.s32 $0xFFFFFF80  }
0x2c: {  	[tilespmem:s10], [sflag:$0x1] =	stream.indirect.gather [hbm4b:s3+s9], $0x40, s2, s9, $0xb8;
	[tilespmem:$0x4100] =	vst v63  }
0x2d: {  	s17 =	sadd.s32 s16, s6;
	s16 =	smov.u32 s19  }
0x2e: {  	[tilespmem:s9], [sflag:$0x3] =	stream.linear.gather [hbm4b:s17+s2], $0x80, $0x38;
	[tilespmem:$0x4100] =	vst v63  }
0x2f: {  	_ =	swait.ge [sflag:s8], $0x80  }
0x30: {  	[sflag:s8] =	ssyncset.done $0x0  }
0x31: {  	[sflag:s8] =	ssyncadd.s32 $0xFFFFFF80  }
0x32: {  	[tilespmem:s11], [sflag:$0x2] =	stream.indirect.gather [hbm4b:s3+s9], $0x40, s9, s9, $0xb8;
	[tilespmem:$0x4100] =	vst v63  }
0x33: {  	_ =	swait.ge [sflag:s12], $0x2000  }
0x34: {  	[sflag:s12] =	ssyncset.done $0x0  }
0x35: {  	s17 =	sadd.s32 $0xFFFFFC00, s15;
	[sflag:s12] =	ssyncadd.s32 $0xFFFFE000  }
0x36: {  	[hbm4b:s17+s2] =	stream.linear.scatter [tilespmem:s10], [sflag:$0x3], $0x2000, $0x38;
	[tilespmem:$0x4100] =	vst v63  }
0x37: {  	_ =	swait.ge [sflag:s8], $0x2000  }
0x38: {  	[sflag:s8] =	ssyncset.done $0x0  }
0x39: {  	[sflag:s8] =	ssyncadd.s32 $0xFFFFE000  }
0x3a: {  	_ =	swait.ge [sflag:s13], $0x2000  }
.Ltmp0:
0x3b: {  	[sflag:s13] =	ssyncset.done $0x0;
	(pc) =	sbr.rel @p0 .LBB2_2-.Ltmp0, $4  }
0x3c: {  	[sflag:s13] =	ssyncadd.s32 $0xFFFFE000  }
0x3d: {  	[hbm4b:s15+s2] =	stream.linear.scatter [tilespmem:s11], [sflag:$0x3], $0x2000, $0x38;
	[tilespmem:$0x4100] =	vst v63  }
0x3e: {  	_ =	swait.ge [sflag:s8], $0x2000  }
0x3f: {  	s17 =	smov.u32 s20;
	s15 =	sadd.s32 $0x800, s15;
	[sflag:s8] =	ssyncset.done $0x0  }
0x40: {  	s17 =	sadd.s32 s16, s7;
	[sflag:s8] =	ssyncadd.s32 $0xFFFFE000  }
0x41: {  	[tilespmem:s2], [sflag:$0x3] =	stream.linear.gather [hbm4b:s17+s2], $0x80, $0x38;
	[tilespmem:$0x4100] =	vst v63  }
0x42: {  	_ =	swait.ge [sflag:s8], $0x80  }
0x43: {  	[sflag:s8] =	ssyncset.done $0x0  }
0x44: {  	[sflag:s8] =	ssyncadd.s32 $0xFFFFFF80  }
0x45: {  	[tilespmem:s10], [sflag:$0x1] =	stream.indirect.gather [hbm4b:s3+s9], $0x40, s2, s9, $0xb8;
	[tilespmem:$0x4100] =	vst v63  }
0x46: {  	s30 =	sadd.s32 s16, s6  }
0x47: {  	[tilespmem:s9], [sflag:$0x3] =	stream.linear.gather [hbm4b:s30+s2], $0x80, $0x38;
	[tilespmem:$0x4100] =	vst v63  }
0x48: {  	_ =	swait.ge [sflag:s8], $0x80  }
0x49: {  	[sflag:s8] =	ssyncset.done $0x0  }
0x4a: {  	[sflag:s8] =	ssyncadd.s32 $0xFFFFFF80  }
0x4b: {  	[tilespmem:s11], [sflag:$0x2] =	stream.indirect.gather [hbm4b:s3+s9], $0x40, s9, s9, $0xb8;
	[tilespmem:$0x4100] =	vst v63  }
0x4c: {  	_ =	swait.ge [sflag:s12], $0x2000  }
0x4d: {  	[sflag:s12] =	ssyncset.done $0x0  }
0x4e: {  	s31 =	sadd.s32 $0xFFFFFC00, s15;
	[sflag:s12] =	ssyncadd.s32 $0xFFFFE000  }
0x4f: {  	[hbm4b:s31+s2] =	stream.linear.scatter [tilespmem:s10], [sflag:$0x3], $0x2000, $0x38;
	[tilespmem:$0x4100] =	vst v63  }
0x50: {  	_ =	swait.ge [sflag:s8], $0x2000  }
0x51: {  	[sflag:s8] =	ssyncset.done $0x0  }
0x52: {  	[sflag:s8] =	ssyncadd.s32 $0xFFFFE000  }
0x53: {  	s14 =	sadd.s32 $0x1, s14;
	_ =	swait.ge [sflag:s13], $0x2000  }
0x54: {  	p0 =	sne.s32 s14, s4;
	[sflag:s13] =	ssyncset.done $0x0  }
.Ltmp1:
0x55: {  	[sflag:s13] =	ssyncadd.s32 $0xFFFFE000;
	(pc) =	sbr.rel @p0 .LBB2_1-.Ltmp1, $4  }
0x56: {  	[hbm4b:s15+s2] =	stream.linear.scatter [tilespmem:s11], [sflag:$0x3], $0x2000, $0x38;
	[tilespmem:$0x4100] =	vst v63  }
0x57: {  	_ =	swait.ge [sflag:s8], $0x2000  }
0x58: {  	[sflag:s8] =	ssyncset.done $0x0  }
0x59: {  	[sflag:s8] =	ssyncadd.s32 $0xFFFFE000  }
0x5a: {  	_ =	sfence.sel $0x180000  }
0x5b: {  	[bflag:$0x0] =	sbarrier.arrive $0xFFFF  }
0x5c: {  	p0 =	sne.s32 s1, $0x0;
	_ =	strace $0x90000047  }
0x5d: {  	s0 =	sadd.s32 @!p0 $0x100000, s0;
	[bflag:$0x2] =	sbarrier.arrive $0xFFFF  }
0x5e: {  	[sflag:s0] =	ssyncadd.tile.s32 @!p0 $0x1;
	_ =	shalt  }
.Lfunc_end2:
_tile_overlayer_lowered:
.L_overlay_start_2:
0x5f: {  	(tag) =	ssettag $0x2  }
0x60: {  	s0 =	rddreg [dreg:$0x0];
	s2 =	stileid.u32  }
0x61: {  	s1 =	rddreg [dreg:$0x1];
	p0 =	sne.s32 s2, $0x0  }
0x62: {  	s3 =	rddreg [dreg:$0x2];
	[bflag:$0x3] =	sbarrier.arrive $0xFFFF;
	s2 =	simm.s32 @!p0 $0x1C03  }
0x63: {  	[timem:s3], [sflag:s2] =	dma.local @!p0 [hbm:s0], s1  }
0x64: {  	s0 =	simm.s32 @!p0 $0x3  }
0x65: {  	_ =	swait.ge @!p0 [sflag:s0], s1  }
0x66: {  	s1 =	ssub.s32 @!p0 $0x0, s1;
	[sflag:s0] =	ssyncset.done @!p0 $0x0  }
0x67: {  	[sflag:s0] =	ssyncadd.s32 @!p0 s1  }
0x68: {  	[bflag:$0x3] =	sbarrier.arrive $0xFFFF  }
0x69: {  	_ =	shalt  }

// kernel: kernel.9.cloned.1.call-start
scs
__scs_entry_jumppad:
0x0: {  	(pc) =	sbr.rel $0x88, $3  }
0x1: {  	(tag) =	ssettag $0x0;
	lr =	simm.s32 $0x1  }
0x2: {  	[smem:$0x3F91] =	sst lr;
	_ =	strace $0xD0000000  }
0x3: {  	_ = 	snop  }
0x4: {  	_ = 	snop  }
0x5: {  	_ = 	snop  }
0x6: {  	_ = 	snop  }
0x7: {  	_ = 	snop  }
__scs_overlays_trampoline_lowered:
0x8: {  	[smem:$0x3FA0] =	sst s0  }
0x9: {  	[smem:$0x3FA1] =	sst s1  }
0xa: {  	[smem:$0x3FA2] =	sst s2  }
0xb: {  	[smem:$0x3FA3] =	sst s3  }
0xc: {  	[smem:$0x3FA4] =	sst s4  }
0xd: {  	[smem:$0x3FA5] =	sst s5  }
0xe: {  	[smem:$0x3FA6] =	sst s6  }
0xf: {  	[smem:$0x3FA7] =	sst s7  }
0x10: {  	[smem:$0x3FA8] =	sst s8  }
0x11: {  	[smem:$0x3FA9] =	sst s9;
	s0 =	simm.s32 @!p0 $0x0  }
0x12: {  	s1 =	sld [smem:$0x3F8F];
	s0 =	simm.s32 @p0 $0x1  }
0x13: {  	[smem:$0x3FAA] =	sst s0;
	s0 =	simm.s32 @!p1 $0x0  }
0x14: {  	s2 =	sld [smem:$0x3F8E];
	s0 =	simm.s32 @p1 $0x1  }
0x15: {  	[smem:$0x3FAB] =	sst s0;
	s0 =	simm.s32 @!p2 $0x0  }
0x16: {  	s3 =	sld [smem:$0x3FDB];
	s0 =	simm.s32 @p2 $0x1  }
0x17: {  	s4 =	simm.s32 $0x1BF5;
	[smem:$0x3FAD] =	sst s0  }
0x18: {  	s0 =	sld [smem:$0x3F90];
	_ =	swait.ge [sflag:s4], $0x0  }
0x19: {  	s7 =	sld [smem:$0x3F91]  }
0x1a: {  	s8 =	sadd.s32 $0xFFFFE003, lr  }
0x1b: {  	s9 =	sadd.s32 $0xFFFFFEF7, lr;
	s5 =	simm.s32 $0xFFFFFFFF;
	p2 =	slt.u32 s8, $0xFFFFF086  }
0x1c: {  	p1 =	slt.u32 s9, $0xF7A;
	s5 =	simm.s32 @!p2 $0x0  }
0x1d: {  	s5 =	simm.s32 @p1 $0x1;
	p0 =	seq.s32 s7, s2  }
0x1e: {  	s7 =	smul.u32 @!p0 $0xF7A, s2;
	p2 =	seq.s32 @!p0 s5, $0x0  }
0x1f: {  	s9 =	smul.u32 $0xF7A, s1;
	s8 =	simm.s32 @!p0 $0x1BF5;
	p2 =	por !p2, p0  }
0x20: {  	[sflag:s8] =	ssyncset.s32 @!p0 $0xFFFFF086;
	s6 =	sadd.s32 @!p0 s3, s7;
	s7 =	simm.s32 @!p0 $0x108  }
0x21: {  	s3 =	sadd.s32 s3, s9;
	s6 =	sadd.s32 @!p0 $0x88, s6;
	s7 =	simm.s32 @p2 $0x1082  }
0x22: {  	[simem:s7], [sflag:s8] =	dma.local @!p0 [hbm:s6], $0xF7A  }
0x23: {  	s9 =	sor.u32 $0xD0000000, s2;
	s6 =	simm.s32 $0x108;
	_ =	swait.ge @!p0 [sflag:s8], $0x0  }
0x24: {  	s3 =	sadd.s32 $0x88, s3;
	s6 =	simm.s32 @!p1 $0x1082;
	[sflag:s4] =	ssyncset.s32 $0xFFFFF086  }
0x25: {  	[simem:s6], [sflag:s4] =	dma.local [hbm:s3], $0xF7A  }
0x26: {  	[smem:$0x3F91] =	sst s1;
	(tag) =	ssettag s2;
	_ =	strace s9  }
0x27: {  	s1 =	sld [smem:$0x3FA1]  }
0x28: {  	s2 =	sld [smem:$0x3FA2]  }
0x29: {  	s4 =	sld [smem:$0x3FA4]  }
0x2a: {  	p0 =	seq.s32 s5, $0x0;
	s5 =	sld [smem:$0x3FA5]  }
0x2b: {  	s6 =	sld [smem:$0x3FA6]  }
0x2c: {  	s7 =	sld [smem:$0x3FA7]  }
0x2d: {  	s3 =	simm.s32 $0x108;
	s8 =	sld [smem:$0x3FA8]  }
0x2e: {  	s3 =	simm.s32 @!p0 $0x1082;
	s9 =	sld [smem:$0x3FA9]  }
0x2f: {  	lr =	sadd.s32 s0, s3;
	s0 =	sld [smem:$0x3FA0]  }
0x30: {  	s3 =	sld [smem:$0x3FA3]  }
0x31: {  	[smem:$0x3FAC] =	sst s10  }
0x32: {  	s10 =	sld [smem:$0x3FAA];
	_ =	sdelay $0x3  }
0x33: {  	p0 =	seq.s32 s10, $0x1;
	s10 =	sld [smem:$0x3FAC];
	_ =	sdelay $0x3  }
0x34: {  	[smem:$0x3FAC] =	sst s10  }
0x35: {  	s10 =	sld [smem:$0x3FAB];
	_ =	sdelay $0x3  }
0x36: {  	p1 =	seq.s32 s10, $0x1;
	s10 =	sld [smem:$0x3FAC];
	_ =	sdelay $0x3  }
0x37: {  	[smem:$0x3FAC] =	sst s10  }
0x38: {  	s10 =	sld [smem:$0x3FAD]  }
0x39: {  	_ = 	snop;
	(pc) =	sbr.ind lr, $3  }
0x3a: {  	_ = 	snop  }
0x3b: {  	_ = 	snop  }
0x3c: {  	p2 =	seq.s32 s10, $0x1;
	s10 =	sld [smem:$0x3FAC]  }
0x3d: {  	_ =	shalt  }
0x3e: {  	_ =	shalt  }
0x3f: {  	_ =	shalt  }
0x40: {  	_ =	shalt  }
0x41: {  	_ =	shalt  }
0x42: {  	_ =	shalt  }
0x43: {  	_ =	shalt  }
0x44: {  	_ =	shalt  }
0x45: {  	_ =	shalt  }
0x46: {  	_ =	shalt  }
0x47: {  	_ =	shalt  }
0x48: {  	_ =	shalt  }
0x49: {  	_ =	shalt  }
0x4a: {  	_ =	shalt  }
0x4b: {  	_ =	shalt  }
0x4c: {  	_ =	shalt  }
0x4d: {  	_ =	shalt  }
0x4e: {  	_ =	shalt  }
0x4f: {  	_ =	shalt  }
0x50: {  	_ =	shalt  }
0x51: {  	_ =	shalt  }
0x52: {  	_ =	shalt  }
0x53: {  	_ =	shalt  }
0x54: {  	_ =	shalt  }
0x55: {  	_ =	shalt  }
0x56: {  	_ =	shalt  }
0x57: {  	_ =	shalt  }
0x58: {  	_ =	shalt  }
0x59: {  	_ =	shalt  }
0x5a: {  	_ =	shalt  }
0x5b: {  	_ =	shalt  }
0x5c: {  	_ =	shalt  }
0x5d: {  	_ =	shalt  }
0x5e: {  	_ =	shalt  }
0x5f: {  	_ =	shalt  }
0x60: {  	_ =	shalt  }
0x61: {  	_ =	shalt  }
0x62: {  	_ =	shalt  }
0x63: {  	_ =	shalt  }
0x64: {  	_ =	shalt  }
0x65: {  	_ =	shalt  }
0x66: {  	_ =	shalt  }
0x67: {  	_ =	shalt  }
0x68: {  	_ =	shalt  }
0x69: {  	_ =	shalt  }
0x6a: {  	_ =	shalt  }
0x6b: {  	_ =	shalt  }
0x6c: {  	_ =	shalt  }
0x6d: {  	_ =	shalt  }
0x6e: {  	_ =	shalt  }
0x6f: {  	_ =	shalt  }
0x70: {  	_ =	shalt  }
0x71: {  	_ =	shalt  }
0x72: {  	_ =	shalt  }
0x73: {  	_ =	shalt  }
0x74: {  	_ =	shalt  }
0x75: {  	_ =	shalt  }
0x76: {  	_ =	shalt  }
0x77: {  	_ =	shalt  }
0x78: {  	_ =	shalt  }
0x79: {  	_ =	shalt  }
0x7a: {  	_ =	shalt  }
0x7b: {  	_ =	shalt  }
0x7c: {  	_ =	shalt  }
0x7d: {  	_ =	shalt  }
0x7e: {  	_ =	shalt  }
0x7f: {  	_ =	shalt  }
0x80: {  	_ =	shalt  }
0x81: {  	_ =	shalt  }
0x82: {  	_ =	shalt  }
0x83: {  	_ =	shalt  }
0x84: {  	_ =	shalt  }
0x85: {  	_ =	shalt  }
0x86: {  	_ =	shalt  }
0x87: {  	_ =	shalt  }
.Lfunc_end0:
.L_simem_size_0:
called_computation_lowered:
.L_overlay_start_0:
0x88: {  	s2 =	sld [smem:$0x3FD9]  }
0x89: {  	s3 =	sld [smem:$0x3FFE];
	_ =	sdelay $0x1  }
0x8a: {  	s1 =	srdreg.scid  }
0x8b: {  	s0 =	sand.u32 $0x1, s1  }
0x8c: {  	s15 =	sshll.u32 s0, $0xA;
	s2 =	sadd.s32 s3, s2  }
0x8d: {  	s2 =	sadd.s32 s2, s15  }
0x8e: {  	[smem:$0x3FB8] =	sst s2  }
0x8f: {  	_ = 	snop  }
0x90: {  	s2 =	sld [smem:$0x3FD0];
	_ =	sdelay $0x2  }
0x91: {  	s4 =	simm.s32 $0xB;
	s16 =	simm.s32 $0x10  }
0x92: {  	[smem:s16], [sflag:s4] =	dma.local [hbm:s2], $0x1  }
0x93: {  	_ =	swait.eq [sflag:s4], $0x1  }
0x94: {  	[sflag:s4] =	ssyncset.done $0x0  }
0x95: {  	s17 =	sld [smem:$0x10];
	[sflag:s4] =	ssyncadd.s32 $0xFFFFFFFF  }
0x96: {  	s18 =	sld [smem:$0x11];
	(tm) =	ssettm $0x1  }
0x97: {  	s19 =	sld [smem:$0x3FFB];
	_ =	sdelay $0x3  }
0x98: {  	_ =	strace s19  }
0x99: {  	s2 =	sld [smem:$0x3FFC];
	_ =	sdelay $0x3  }
0x9a: {  	_ =	strace s2  }
0x9b: {  	s2 =	sld [smem:$0x3FFD];
	_ =	sdelay $0x3  }
0x9c: {  	_ =	strace s2  }
0x9d: {  	_ =	strace $0x8FFFFFFF  }
0x9e: {  	s20 =	sld [smem:$0x3FDB];
	_ =	sdelay $0x1  }
0x9f: {  	s5 =	simm.s32 $_scs_section_size  }
0xa0: {  	s6 =	simm.s32 $_size__tile_overlayer_lowered;
	s7 =	simm.s32 $_tile_overlayer_lowered  }
0xa1: {  	s8 =	simm.s32 $0x1BFF;
	s21 =	sshll.u32 s7, $0x1;
	s5 =	sadd.s32 s5, s20  }
0xa2: {  	s22 =	simm.s32 $0x0;
	s6 =	sshll.u32 s6, $0x1;
	s7 =	sadd.s32 s21, s5  }
0xa3: {  	[timem:s22], [sflag:s8] =	dma.local [hbm:s7], s6  }
0xa4: {  	_ =	swait.ge [sflag:s8], s6  }
0xa5: {  	s6 =	ssub.s32 $0x0, s6;
	[sflag:s8] =	ssyncset.done $0x0  }
0xa6: {  	[sflag:s8] =	ssyncadd.s32 s6;
	_ =	sdelay $0x1  }
0xa7: {  	s23 =	simm.s32 $0x1B8B  }
0xa8: {  	_ =	swait.ge [sflag:s23], $0x1  }
0xa9: {  	[sflag:s23] =	ssyncset.done $0x0  }
0xaa: {  	[sflag:s23] =	ssyncadd.s32 $0xFFFFFFFF  }
0xab: {  	s6 =	sld [smem:$0x0]  }
0xac: {  	s7 =	sand.u32 $0xFFFFFFFE, s1  }
0xad: {  	p0 =	sne.s32 s1, s7  }
0xae: {  	s7 =	sshll.u32 @p0 s7, $0xE  }
0xaf: {  	s7 =	sadd.s32 @p0 $0x11B8D, s7;
	s8 =	sshll.u32 @p0 s6, $0x11  }
0xb0: {  	s7 =	sor.u32 @p0 s8, s7  }
0xb1: {  	[sflag:s7] =	ssyncadd.remote.s32 @p0 $0x1;
	_ =	sdelay $0x1  }
0xb2: {  	s7 =	simm.s32 @p0 $0x1B8D  }
0xb3: {  	_ =	swait.eq @p0 [sflag:s7], $0x1  }
0xb4: {  	[sflag:s7] =	ssyncadd.s32 @p0 $0xFFFFFFFF  }
0xb5: {  	s8 =	sshll.u32 @!p0 s1, $0xE  }
0xb6: {  	s8 =	sor.u32 @!p0 $0x4000, s8;
	s7 =	simm.s32 @!p0 $0x1B8D  }
0xb7: {  	s6 =	sshll.u32 @!p0 s6, $0x11;
	s8 =	sadd.s32 @!p0 $0x11B8D, s8;
	_ =	swait.eq @!p0 [sflag:s7], $0x1  }
0xb8: {  	s6 =	sor.u32 @!p0 s6, s8;
	[sflag:s7] =	ssyncadd.s32 @!p0 $0xFFFFFFFF  }
0xb9: {  	s25 =	simm.s32 $0x1B8E;
	s24 =	sld [smem:$0x3FFE];
	[sflag:s6] =	ssyncadd.remote.s32 @!p0 $0x1  }
0xba: {  	s26 =	simm.s32 $execute0_lowered;
	[smem:$0x3FD2] =	sst s25  }
0xbb: {  	s7 =	sshll.u32 s26, $0x1;
	_ =	strace $0x80000049;
	[dreg:$0x1] =	wrdreg $0xFFFFFFFF  }
0xbc: {  	s28 =	simm.s32 $_size_execute0_lowered;
	s5 =	sadd.s32 s5, s7;
	[dreg:$0x0] =	wrdreg $0x0  }
0xbd: {  	s7 =	sshll.u32 s28, $0x1;
	[dreg:$0x2] =	wrdreg s5  }
0xbe: {  	[dreg:$0x3] =	wrdreg s7  }
0xbf: {  	[dreg:$0x4] =	wrdreg $0xC0  }
0xc0: {  	_ =	task [dreg:s22], $0x5FFFF  }
0xc1: {  	[dreg:$0x1] =	wrdreg $0xFFFFFFFF  }
0xc2: {  	[dreg:$0x0] =	wrdreg $0x60  }
0xc3: {  	[dreg:$0x2] =	wrdreg s17  }
0xc4: {  	[dreg:$0x3] =	wrdreg s18  }
0xc5: {  	[dreg:$0x4] =	wrdreg s24  }
0xc6: {  	[dreg:$0x5] =	wrdreg $0x9  }
0xc7: {  	_ =	task.clear_ibuf [dreg:s22], $0x6FFFF;
	_ =	strace $0x90000049  }
0xc8: {  	s29 =	simm.s32 $0x9;
	_ =	strace $0x8000004B  }
0xc9: {  	_ =	swait.ge [sflag:s29], $0x1  }
0xca: {  	[sflag:s29] =	ssyncadd.s32 $0xFFFFFFFF  }
0xcb: {  	_ =	strace $0x9000004B  }
0xcc: {  	_ =	sfence  }
0xcd: {  	s30 =	sld [smem:$0x0];
	_ =	sdelay $0x2  }
0xce: {  	s31 =	sshll.u32 s1, $0xD;
	s1 =	sshrl.u32 s1, $0x2  }
0xcf: {  	s4 =	sand.u32 $0x4000, s31;
	s1 =	sadd.s32 s1, s30  }
0xd0: {  	s0 =	sor.u32 s4, s0;
	s1 =	sshll.u32 s1, $0x11  }
0xd1: {  	s0 =	sor.u32 s1, s0  }
0xd2: {  	s0 =	sadd.s32 $0x8F2B, s0  }
0xd3: {  	[sflag:s0] =	ssyncadd.remote.s32 $0x1  }
0xd4: {  	_ =	sfence.sel $0xFFFF  }
0xd5: {  	[dreg:$0x0] =	wrdreg $0xFFFFFFFF;
	(pc) =	sbr.abs _section_cstart, $3  }
0xd6: {  	[dreg:$0x1] =	wrdreg $0xFFFFFFFF  }
0xd7: {  	_ =	task.clear_ibuf [dreg:s22], $0x2FFFF;
	_ =	strace $0x9FFFFFFF  }
0xd8: {  	(tm) =	ssettm $0x7FFFFFFF  }
0xd9: {  	_ =	shalt  }
tec
execute0_lowered:
.L_overlay_start_1:
0x0: {  	(tag) =	ssettag $0x1  }
0x1: {  	s7 =	rddreg [dreg:$0x0]  }
0x2: {  	s2 =	rddreg [dreg:$0x1]  }
0x3: {  	s4 =	rddreg [dreg:$0x2]  }
0x4: {  	s0 =	rddreg [dreg:$0x3]  }
0x5: {  	s3 =	simm.s32 $0x0;
	s1 =	stileid.u32;
	s5 =	srdreg.scid  }
0x6: {  	s11 =	simm.s32 $0x2100;
	s12 =	simm.s32 $0x1;
	s13 =	simm.s32 $0x2  }
0x7: {  	s14 =	simm.s32 $0x0;
	[smem:$0x7FF] =	sst s3;
	s6 =	sshll.u32 s1, $0x10  }
0x8: {  	s5 =	sand.u32 $0x1, s5;
	s9 =	sshll.u32 s1, $0xD;
	_ =	strace $0x8000004A  }
0x9: {  	s6 =	sadd.s32 s6, s4;
	s29 =	ssub.s32 $0x2, s5;
	s10 =	sshll.u32 s5, $0xC  }
0xa: {  	s5 =	sshll.u32 s5, $0xF;
	s8 =	sshrl.u32 s29, $0x1;
	s30 =	sor.u32 s10, s9  }
0xb: {  	s5 =	sadd.s32 s5, s6;
	s9 =	simm.s32 $0x80;
	s10 =	simm.s32 $0x100  }
0xc: {  	s4 =	ssub.s32 s29, s8;
	s31 =	sor.u32 $0x80, s30;
	s5 =	sadd.s32 $0x188800, s5  }
0xd: {  	s8 =	sshrl.u32 s30, $0x3;
	s4 =	smax.u32 s4, $0x1;
	s6 =	sshrl.u32 s31, $0x3  }
0xe: {  	s6 =	sadd.s32 s6, s7;
	s7 =	sadd.s32 s8, s7;
	s8 =	simm.s32 $0x3  }
.LBB2_1:
0xf: {  	s15 =	sadd.s32 $0x0, s7  }
0x10: {  	[tilespmem:s3], [sflag:$0x3] =	stream.linear.gather [hbm4b:s15+s3], $0x80, $0x38;
	[tilespmem:$0x4100] =	vst v63  }
0x11: {  	_ =	swait.ge [sflag:s8], $0x80  }
0x12: {  	[sflag:s8] =	ssyncset.done $0x0  }
0x13: {  	[sflag:s8] =	ssyncadd.s32 $0xFFFFFF80  }
0x14: {  	[tilespmem:s10], [sflag:$0x1] =	stream.indirect.gather [hbm4b:s2+s9], $0x40, s3, s9, $0xb8;
	[tilespmem:$0x4100] =	vst v63  }
0x15: {  	s30 =	sadd.s32 $0x0, s6  }
0x16: {  	[tilespmem:s9], [sflag:$0x3] =	stream.linear.gather [hbm4b:s30+s3], $0x80, $0x38;
	[tilespmem:$0x4100] =	vst v63  }
0x17: {  	_ =	swait.ge [sflag:s8], $0x80  }
0x18: {  	[sflag:s8] =	ssyncset.done $0x0  }
0x19: {  	[sflag:s8] =	ssyncadd.s32 $0xFFFFFF80  }
0x1a: {  	[tilespmem:s11], [sflag:$0x2] =	stream.indirect.gather [hbm4b:s2+s9], $0x40, s9, s9, $0xb8;
	[tilespmem:$0x4100] =	vst v63  }
0x1b: {  	_ =	swait.ge [sflag:s12], $0x2000  }
0x1c: {  	[sflag:s12] =	ssyncset.done $0x0  }
0x1d: {  	s31 =	sadd.s32 $0xFFFFFC00, s5;
	[sflag:s12] =	ssyncadd.s32 $0xFFFFE000  }
0x1e: {  	[hbm4b:s31+s3] =	stream.linear.scatter [tilespmem:s10], [sflag:$0x3], $0x2000, $0x38;
	[tilespmem:$0x4100] =	vst v63  }
0x1f: {  	_ =	swait.ge [sflag:s8], $0x2000  }
0x20: {  	[sflag:s8] =	ssyncset.done $0x0  }
0x21: {  	[sflag:s8] =	ssyncadd.s32 $0xFFFFE000  }
0x22: {  	_ =	swait.ge [sflag:s13], $0x2000  }
0x23: {  	[sflag:s13] =	ssyncset.done $0x0  }
0x24: {  	[sflag:s13] =	ssyncadd.s32 $0xFFFFE000  }
0x25: {  	[hbm4b:s5+s3] =	stream.linear.scatter [tilespmem:s11], [sflag:$0x3], $0x2000, $0x38;
	[tilespmem:$0x4100] =	vst v63  }
0x26: {  	s16 =	simm.s32 $0x20;
	_ =	swait.ge [sflag:s8], $0x2000  }
0x27: {  	s17 =	simm.s32 $0x40;
	s15 =	sadd.s32 $0x800, s5;
	[sflag:s8] =	ssyncset.done $0x0  }
.LBB2_2:
0x28: {  	s18 =	sadd.s32 s16, s7  }
0x29: {  	[sflag:s8] =	ssyncadd.s32 $0xFFFFE000;
	s19 =	smov.u32 s17;
	s20 =	sadd.s32 $0x20, s17  }
0x2a: {  	[tilespmem:s3], [sflag:$0x3] =	stream.linear.gather [hbm4b:s18+s3], $0x80, $0x38;
	[tilespmem:$0x4100] =	vst v63  }
0x2b: {  	p0 =	sne.s32 s17, $0x1E0;
	_ =	swait.ge [sflag:s8], $0x80  }
0x2c: {  	[sflag:s8] =	ssyncset.done $0x0  }
0x2d: {  	[sflag:s8] =	ssyncadd.s32 $0xFFFFFF80  }
0x2e: {  	[tilespmem:s10], [sflag:$0x1] =	stream.indirect.gather [hbm4b:s2+s9], $0x40, s3, s9, $0xb8;
	[tilespmem:$0x4100] =	vst v63  }
0x2f: {  	s17 =	sadd.s32 s16, s6;
	s16 =	smov.u32 s19  }
0x30: {  	[tilespmem:s9], [sflag:$0x3] =	stream.linear.gather [hbm4b:s17+s3], $0x80, $0x38;
	[tilespmem:$0x4100] =	vst v63  }
0x31: {  	_ =	swait.ge [sflag:s8], $0x80  }
0x32: {  	[sflag:s8] =	ssyncset.done $0x0  }
0x33: {  	[sflag:s8] =	ssyncadd.s32 $0xFFFFFF80  }
0x34: {  	[tilespmem:s11], [sflag:$0x2] =	stream.indirect.gather [hbm4b:s2+s9], $0x40, s9, s9, $0xb8;
	[tilespmem:$0x4100] =	vst v63  }
0x35: {  	_ =	swait.ge [sflag:s12], $0x2000  }
0x36: {  	[sflag:s12] =	ssyncset.done $0x0  }
0x37: {  	s17 =	sadd.s32 $0xFFFFFC00, s15;
	[sflag:s12] =	ssyncadd.s32 $0xFFFFE000  }
0x38: {  	[hbm4b:s17+s3] =	stream.linear.scatter [tilespmem:s10], [sflag:$0x3], $0x2000, $0x38;
	[tilespmem:$0x4100] =	vst v63  }
0x39: {  	_ =	swait.ge [sflag:s8], $0x2000  }
0x3a: {  	[sflag:s8] =	ssyncset.done $0x0  }
0x3b: {  	[sflag:s8] =	ssyncadd.s32 $0xFFFFE000  }
0x3c: {  	_ =	swait.ge [sflag:s13], $0x2000  }
.Ltmp0:
0x3d: {  	[sflag:s13] =	ssyncset.done $0x0;
	(pc) =	sbr.rel @p0 .LBB2_2-.Ltmp0, $4  }
0x3e: {  	[sflag:s13] =	ssyncadd.s32 $0xFFFFE000  }
0x3f: {  	[hbm4b:s15+s3] =	stream.linear.scatter [tilespmem:s11], [sflag:$0x3], $0x2000, $0x38;
	[tilespmem:$0x4100] =	vst v63  }
0x40: {  	_ =	swait.ge [sflag:s8], $0x2000  }
0x41: {  	s17 =	smov.u32 s20;
	s15 =	sadd.s32 $0x800, s15;
	[sflag:s8] =	ssyncset.done $0x0  }
0x42: {  	s17 =	sadd.s32 s16, s7;
	[sflag:s8] =	ssyncadd.s32 $0xFFFFE000  }
0x43: {  	[tilespmem:s3], [sflag:$0x3] =	stream.linear.gather [hbm4b:s17+s3], $0x80, $0x38;
	[tilespmem:$0x4100] =	vst v63  }
0x44: {  	_ =	swait.ge [sflag:s8], $0x80  }
0x45: {  	[sflag:s8] =	ssyncset.done $0x0  }
0x46: {  	[sflag:s8] =	ssyncadd.s32 $0xFFFFFF80  }
0x47: {  	[tilespmem:s10], [sflag:$0x1] =	stream.indirect.gather [hbm4b:s2+s9], $0x40, s3, s9, $0xb8;
	[tilespmem:$0x4100] =	vst v63  }
0x48: {  	s30 =	sadd.s32 s16, s6  }
0x49: {  	[tilespmem:s9], [sflag:$0x3] =	stream.linear.gather [hbm4b:s30+s3], $0x80, $0x38;
	[tilespmem:$0x4100] =	vst v63  }
0x4a: {  	_ =	swait.ge [sflag:s8], $0x80  }
0x4b: {  	[sflag:s8] =	ssyncset.done $0x0  }
0x4c: {  	[sflag:s8] =	ssyncadd.s32 $0xFFFFFF80  }
0x4d: {  	[tilespmem:s11], [sflag:$0x2] =	stream.indirect.gather [hbm4b:s2+s9], $0x40, s9, s9, $0xb8;
	[tilespmem:$0x4100] =	vst v63  }
0x4e: {  	_ =	swait.ge [sflag:s12], $0x2000  }
0x4f: {  	[sflag:s12] =	ssyncset.done $0x0  }
0x50: {  	s31 =	sadd.s32 $0xFFFFFC00, s15;
	[sflag:s12] =	ssyncadd.s32 $0xFFFFE000  }
0x51: {  	[hbm4b:s31+s3] =	stream.linear.scatter [tilespmem:s10], [sflag:$0x3], $0x2000, $0x38;
	[tilespmem:$0x4100] =	vst v63  }
0x52: {  	_ =	swait.ge [sflag:s8], $0x2000  }
0x53: {  	[sflag:s8] =	ssyncset.done $0x0  }
0x54: {  	[sflag:s8] =	ssyncadd.s32 $0xFFFFE000  }
0x55: {  	s14 =	sadd.s32 $0x1, s14;
	_ =	swait.ge [sflag:s13], $0x2000  }
0x56: {  	p0 =	sne.s32 s14, s4;
	[sflag:s13] =	ssyncset.done $0x0  }
.Ltmp1:
0x57: {  	[sflag:s13] =	ssyncadd.s32 $0xFFFFE000;
	(pc) =	sbr.rel @p0 .LBB2_1-.Ltmp1, $4  }
0x58: {  	[hbm4b:s15+s3] =	stream.linear.scatter [tilespmem:s11], [sflag:$0x3], $0x2000, $0x38;
	[tilespmem:$0x4100] =	vst v63  }
0x59: {  	_ =	swait.ge [sflag:s8], $0x2000  }
0x5a: {  	[sflag:s8] =	ssyncset.done $0x0  }
0x5b: {  	[sflag:s8] =	ssyncadd.s32 $0xFFFFE000  }
0x5c: {  	_ =	sfence.sel $0x180000  }
0x5d: {  	[bflag:$0x0] =	sbarrier.arrive $0xFFFF  }
0x5e: {  	p0 =	sne.s32 s1, $0x0;
	_ =	strace $0x9000004A  }
0x5f: {  	s0 =	sadd.s32 @!p0 $0x100000, s0;
	[bflag:$0x2] =	sbarrier.arrive $0xFFFF  }
0x60: {  	[sflag:s0] =	ssyncadd.tile.s32 @!p0 $0x1;
	_ =	shalt  }
.Lfunc_end2:
_tile_overlayer_lowered:
.L_overlay_start_2:
0x61: {  	(tag) =	ssettag $0x2  }
0x62: {  	s0 =	rddreg [dreg:$0x0];
	s2 =	stileid.u32  }
0x63: {  	s1 =	rddreg [dreg:$0x1];
	p0 =	sne.s32 s2, $0x0  }
0x64: {  	s3 =	rddreg [dreg:$0x2];
	[bflag:$0x3] =	sbarrier.arrive $0xFFFF;
	s2 =	simm.s32 @!p0 $0x1C03  }
0x65: {  	[timem:s3], [sflag:s2] =	dma.local @!p0 [hbm:s0], s1  }
0x66: {  	s0 =	simm.s32 @!p0 $0x3  }
0x67: {  	_ =	swait.ge @!p0 [sflag:s0], s1  }
0x68: {  	s1 =	ssub.s32 @!p0 $0x0, s1;
	[sflag:s0] =	ssyncset.done @!p0 $0x0  }
0x69: {  	[sflag:s0] =	ssyncadd.s32 @!p0 s1  }
0x6a: {  	[bflag:$0x3] =	sbarrier.arrive $0xFFFF  }
0x6b: {  	_ =	shalt  }

</sc_bundles>
